<compile_context>
chip_gen: v7x
topology: tpu7x:2x2x1
jax: 0.10.2.dev20260603
libtpu: 0.0.44.dev20260713+nightly
codegen_flags: <defaults>
</compile_context>

<pallas_src>
import dataclasses

import jax
import jax.numpy as jnp
from jax.experimental import pallas as pl
from jax.experimental.pallas import tpu as pltpu
from jax.experimental.pallas import tpu_sc as plsc

_W = 512
_L = 16

_CP = pltpu.CompilerParams(use_tc_tiling_on_sc=False)
if "needs_layout_passes" in pltpu.CompilerParams.__dataclass_fields__:
    _CP = dataclasses.replace(_CP, needs_layout_passes=False)


def kernel(x, weight):
    b, s = x.shape
    nv, d = weight.shape

    idx_t = x.T.astype(jnp.int32)

    mesh = plsc.VectorSubcoreMesh(core_axis_name="core", subcore_axis_name="subcore")

    @pl.kernel(
        out_type=jax.ShapeDtypeStruct((s, d, b), jnp.float32),
        mesh=mesh,
        scratch_types=[pltpu.VMEM((_W, d), jnp.float32)],
        compiler_params=_CP,
    )
    def gather_kernel(w_hbm, i_hbm, o_hbm, scratch):
        def body(i_vm, o_vm):
            pltpu.sync_copy(w_hbm.at[i_vm.at[0]], scratch)
            iota = jax.lax.iota(jnp.int32, _L)

            @plsc.parallel_loop(0, _W, step=_L)
            def _(c):
                rows = iota + c
                for dd in range(d):
                    cols = jnp.full((_L,), dd, jnp.int32)
                    o_vm[0, dd, pl.ds(c, _L)] = plsc.load_gather(
                        scratch, [rows, cols]
                    )

        pltpu.emit_pipeline(
            body,
            grid=(s, b // _W),
            in_specs=[pl.BlockSpec((1, _W), index_map=lambda si, ui: (si, ui))],
            out_specs=[pl.BlockSpec((1, d, _W), index_map=lambda si, ui: (si, 0, ui))],
            core_axis_name=("core", "subcore"),
            dimension_semantics=(pltpu.PARALLEL, pltpu.PARALLEL),
        )(i_hbm, o_hbm)

    out_t = gather_kernel(weight, idx_t)
    return jnp.transpose(out_t, (2, 0, 1))

# --- scband reference (transcript-rebuilt; emitter-appended) ---
"""Pipeline reference for scband-srn-embedding-13340168421546 (READ-ONLY COPY).

The authoritative reference and input builder live on the scoring server;
editing this copy changes nothing except your own understanding.
"""

import jax, jax.numpy as jnp
import numpy as np

NUM_EMBEDDINGS = 1000000
EMBED_DIM = 32

def setup_inputs(seed: int = 0) -> dict:
    key = jax.random.key(seed)
    k_idx, k_w = jax.random.split(key)
    x = jax.random.randint(k_idx, (16384, 50), 0, NUM_EMBEDDINGS, dtype=jnp.int64 if jax.config.jax_enable_x64 else jnp.int32)
    weight = jax.random.normal(k_w, (NUM_EMBEDDINGS, EMBED_DIM), dtype=jnp.float32) * 0.01
    return {"x": x, "weight": weight}

def reference(x, weight):
    # F.embedding(x, self.weight) -> gather rows of weight by x
    return jnp.take(weight, x, axis=0)

if __name__ == "__main__":
    import jax
    _d = setup_inputs()
    print(jax.jit(kernel)(*tuple(_d.values())))

</pallas_src>

<mosaic_0001>
#map = affine_map<(d0, d1) -> (0, 0)>
#map1 = affine_map<(d0, d1) -> (0, 0, 0)>
module attributes {stable_mosaic.version = 14 : i64} {
  func.func @gather_kernel(%arg0: i32, %arg1: i32, %arg2: memref<1000000x32xf32, #tpu.memory_space<hbm>>, %arg3: memref<50x16384xi32, #tpu.memory_space<hbm>>, %arg4: memref<50x32x16384xf32, #tpu.memory_space<hbm>>, %arg5: memref<512x32xf32, #tpu.memory_space<vmem>>) attributes {dimension_semantics = [#tpu.dimension_semantics<core_parallel>, #tpu.dimension_semantics<subcore_parallel>], iteration_bounds = array<i64: 2, 16>, scalar_prefetch = 0 : i64, scratch_operands = 1 : i64, tpu.core_type = #tpu.core_type<sc_vector_subcore>, window_params = [{transform_indices = #map}, {transform_indices = #map}, {transform_indices = #map1}]} {
    %mul3A = arith.constant 1 : i32
    %mul3A_0 = arith.muli %arg1, %mul3A : i32
    %add3A = arith.constant 0 : i32
    %add3A_1 = arith.addi %add3A, %mul3A_0 : i32
    %mul3A_2 = arith.constant 16 : i32
    %mul3A_3 = arith.muli %arg0, %mul3A_2 : i32
    %add3A_4 = arith.addi %add3A_1, %mul3A_3 : i32
    %mul3A_5 = arith.constant 1 : i32
    %mul3A_6 = arith.muli %add3A_4, %mul3A_5 : i32
    "tpu.region"() ({
      %run_scoped3A = memref.alloca() : memref<2x1x512xi32, #tpu.memory_space<vmem>>
      %run_scoped3A_7 = tpu.sem_alloc : memref<2x!tpu.dma_semaphore, #tpu.memory_space<semaphore_mem>>
      %run_scoped3A_8 = memref.alloca() : memref<2x1x32x512xf32, #tpu.memory_space<vmem>>
      %run_scoped3A_9 = tpu.sem_alloc : memref<2x!tpu.dma_semaphore, #tpu.memory_space<semaphore_mem>>
      %add3A_10 = arith.constant 0 : i32
      %add3A_11 = arith.addi %add3A_10, %mul3A_6 : i32
      %select_n3A = arith.constant true
      %select_n3A_12 = arith.constant 0 : i32
      %select_n3A_13 = arith.constant -1 : i32
      %select_n3A_14 = arith.select %select_n3A, %select_n3A_13, %select_n3A_12 : i32
      %eq3A = arith.constant -1 : i32
      %eq3A_15 = arith.cmpi eq, %select_n3A_14, %eq3A : i32
      %select_n3A_16 = arith.constant 0 : i32
      %select_n3A_17 = arith.select %eq3A_15, %select_n3A_16, %select_n3A_14 : i32
      %select_n3A_18 = arith.constant 0 : i32
      %select_n3A_19 = arith.constant -1 : i32
      %select_n3A_20 = arith.select %eq3A_15, %select_n3A_19, %select_n3A_18 : i32
      %eq3A_21 = arith.constant -1 : i32
      %eq3A_22 = arith.cmpi eq, %select_n3A_20, %eq3A_21 : i32
      %select_n3A_23 = arith.constant 49 : i32
      %select_n3A_24 = arith.select %eq3A_22, %select_n3A_23, %select_n3A_20 : i32
      %add3A_25 = arith.constant 0 : i32
      %add3A_26 = arith.addi %select_n3A_24, %add3A_25 : i32
      %add3A_27 = arith.constant 0 : i32
      %add3A_28 = arith.addi %add3A_27, %mul3A_6 : i32
      %select_n3A_29 = arith.constant true
      %select_n3A_30 = arith.constant 0 : i32
      %select_n3A_31 = arith.constant 1 : i32
      %select_n3A_32 = arith.select %select_n3A_29, %select_n3A_31, %select_n3A_30 : i32
      %eq3A_33 = arith.constant 1 : i32
      %eq3A_34 = arith.cmpi eq, %select_n3A_32, %eq3A_33 : i32
      %select_n3A_35 = arith.constant 0 : i32
      %select_n3A_36 = arith.select %eq3A_34, %select_n3A_35, %select_n3A_32 : i32
      %select_n3A_37 = arith.constant 0 : i32
      %select_n3A_38 = arith.constant 1 : i32
      %select_n3A_39 = arith.select %eq3A_34, %select_n3A_38, %select_n3A_37 : i32
      %eq3A_40 = arith.constant 50 : i32
      %eq3A_41 = arith.cmpi eq, %select_n3A_39, %eq3A_40 : i32
      %select_n3A_42 = arith.constant 0 : i32
      %select_n3A_43 = arith.select %eq3A_41, %select_n3A_42, %select_n3A_39 : i32
      %add3A_44 = arith.constant 0 : i32
      %add3A_45 = arith.addi %select_n3A_43, %add3A_44 : i32
      %add3A_46 = arith.constant 0 : i32
      %add3A_47 = arith.addi %add3A_46, %mul3A_6 : i32
      %select_n3A_48 = arith.constant true
      %select_n3A_49 = arith.constant 0 : i32
      %select_n3A_50 = arith.constant 1 : i32
      %select_n3A_51 = arith.select %select_n3A_48, %select_n3A_50, %select_n3A_49 : i32
      %eq3A_52 = arith.constant 1 : i32
      %eq3A_53 = arith.cmpi eq, %select_n3A_51, %eq3A_52 : i32
      %select_n3A_54 = arith.constant 0 : i32
      %select_n3A_55 = arith.select %eq3A_53, %select_n3A_54, %select_n3A_51 : i32
      %add3A_56 = arith.constant 1 : i32
      %add3A_57 = arith.addi %select_n3A_43, %add3A_56 : i32
      %select_n3A_58 = arith.select %eq3A_53, %add3A_57, %select_n3A_43 : i32
      %eq3A_59 = arith.constant 50 : i32
      %eq3A_60 = arith.cmpi eq, %select_n3A_58, %eq3A_59 : i32
      %select_n3A_61 = arith.constant 0 : i32
      %select_n3A_62 = arith.select %eq3A_60, %select_n3A_61, %select_n3A_58 : i32
      %add3A_63 = arith.constant 0 : i32
      %add3A_64 = arith.addi %select_n3A_62, %add3A_63 : i32
      %add3A_65 = arith.constant 0 : i32
      %add3A_66 = arith.addi %add3A_65, %mul3A_6 : i32
      "tpu.trace_start"() <{level = 10 : i32, message = "ep_initialize_0"}> : () -> ()
      %rem3A = arith.constant 0 : i32
      %rem3A_67 = arith.constant 2 : i32
      %rem3A_68 = arith.remui %rem3A, %rem3A_67 : i32
      %mul3A_69 = arith.constant 512 : i32
      %mul3A_70 = arith.muli %mul3A_69, %add3A_11 : i32
      %dma_start3A = arith.constant 0 : i32
      %dma_start3A_71 = arith.constant 0 : i32
      %dma_start3A_72 = tpu.memref_slice %run_scoped3A[%rem3A_68, %dma_start3A, %dma_start3A_71] : memref<2x1x512xi32, #tpu.memory_space<vmem>> -> memref<1x1x512xi32, #tpu.memory_space<vmem>>
      %dma_start3A_73 = tpu.memref_squeeze %dma_start3A_72 : memref<1x1x512xi32, #tpu.memory_space<vmem>> -> memref<1x512xi32, #tpu.memory_space<vmem>>
      %dma_start3A_74 = arith.constant 0 : i32
      %dma_start3A_75 = tpu.memref_slice %arg3[%dma_start3A_74, %mul3A_70] : memref<50x16384xi32, #tpu.memory_space<hbm>> -> memref<1x512xi32, #tpu.memory_space<hbm>>
      %dma_start3A_76 = tpu.memref_slice %run_scoped3A_7[%rem3A_68] : memref<2x!tpu.dma_semaphore, #tpu.memory_space<semaphore_mem>> -> memref<1x!tpu.dma_semaphore, #tpu.memory_space<semaphore_mem>>
      %dma_start3A_77 = tpu.memref_squeeze %dma_start3A_76 : memref<1x!tpu.dma_semaphore, #tpu.memory_space<semaphore_mem>> -> memref<!tpu.dma_semaphore, #tpu.memory_space<semaphore_mem>>
      %dma_start3A_78 = arith.constant 0 : i32
      %dma_start3A_79 = arith.constant 0 : i32
      %dma_start3A_80 = tpu.memref_slice %run_scoped3A[%rem3A_68, %dma_start3A_78, %dma_start3A_79] : memref<2x1x512xi32, #tpu.memory_space<vmem>> -> memref<1x1x512xi32, #tpu.memory_space<vmem>>
      %dma_start3A_81 = tpu.memref_squeeze %dma_start3A_80 : memref<1x1x512xi32, #tpu.memory_space<vmem>> -> memref<1x512xi32, #tpu.memory_space<vmem>>
      %dma_start3A_82 = arith.constant 0 : i32
      %dma_start3A_83 = tpu.memref_slice %arg3[%dma_start3A_82, %mul3A_70] : memref<50x16384xi32, #tpu.memory_space<hbm>> -> memref<1x512xi32, #tpu.memory_space<hbm>>
      tpu.enqueue_dma source(%dma_start3A_83 : memref<1x512xi32, #tpu.memory_space<hbm>>) target(%dma_start3A_81 : memref<1x512xi32, #tpu.memory_space<vmem>>) target_semaphore(%dma_start3A_77 : memref<!tpu.dma_semaphore, #tpu.memory_space<semaphore_mem>>)
      %add3A_84 = arith.constant 0 : i32
      %add3A_85 = arith.constant 1 : i32
      %add3A_86 = arith.addi %add3A_84, %add3A_85 : i32
      %select_n3A_87 = arith.constant true
      %select_n3A_88 = arith.constant 0 : i32
      %select_n3A_89 = arith.select %select_n3A_87, %add3A_86, %select_n3A_88 : i32
      "tpu.trace_stop"() : () -> ()
      %scan3A = arith.constant 0 : i32
      %scan3A_90 = arith.constant 0 : i32
      %scan3A_91 = arith.constant 0 : i32
      %scan3A_92 = arith.constant 0 : i32
      %scan3A_93 = arith.constant 0 : i32
      %scan3A_94 = arith.constant 0 : i32
      %scan3A_95 = arith.constant 50 : i32
      %scan3A_96 = arith.addi %scan3A_94, %scan3A_95 : i32
      %scan3A_97 = arith.constant 1 : i32
      %scan3A_98:6 = scf.for %scan3A_196 = %scan3A_94 to %scan3A_96 step %scan3A_97 iter_args(%scan3A_197 = %select_n3A_89, %scan3A_198 = %scan3A, %scan3A_199 = %scan3A_90, %scan3A_200 = %scan3A_91, %scan3A_201 = %scan3A_92, %scan3A_202 = %scan3A_93) -> (i32, i32, i32, i32, i32, i32)  : i32 {
        %eq3A_203 = arith.constant 0 : i32
        %eq3A_204 = arith.cmpi eq, %scan3A_196, %eq3A_203 : i32
        %eq3A_205 = arith.constant 49 : i32
        %eq3A_206 = arith.cmpi eq, %scan3A_196, %eq3A_205 : i32
        %add3A_207 = arith.constant 0 : i32
        %add3A_208 = arith.addi %scan3A_201, %add3A_207 : i32
        %add3A_209 = arith.constant 0 : i32
        %add3A_210 = arith.addi %add3A_209, %mul3A_6 : i32
        %select_n3A_211 = arith.constant true
        %select_n3A_212 = arith.constant 0 : i32
        %select_n3A_213 = arith.constant -1 : i32
        %select_n3A_214 = arith.select %select_n3A_211, %select_n3A_213, %select_n3A_212 : i32
        %eq3A_215 = arith.constant -1 : i32
        %eq3A_216 = arith.cmpi eq, %select_n3A_214, %eq3A_215 : i32
        %select_n3A_217 = arith.constant 0 : i32
        %select_n3A_218 = arith.select %eq3A_216, %select_n3A_217, %select_n3A_214 : i32
        %sub3A_219 = arith.constant 1 : i32
        %sub3A_220 = arith.subi %scan3A_201, %sub3A_219 : i32
        %select_n3A_221 = arith.select %eq3A_216, %sub3A_220, %scan3A_201 : i32
        %eq3A_222 = arith.constant -1 : i32
        %eq3A_223 = arith.cmpi eq, %select_n3A_221, %eq3A_222 : i32
        %select_n3A_224 = arith.constant 49 : i32
        %select_n3A_225 = arith.select %eq3A_223, %select_n3A_224, %select_n3A_221 : i32
        %add3A_226 = arith.constant 0 : i32
        %add3A_227 = arith.addi %select_n3A_225, %add3A_226 : i32
        %add3A_228 = arith.constant 0 : i32
        %add3A_229 = arith.addi %add3A_228, %mul3A_6 : i32
        %select_n3A_230 = arith.constant true
        %select_n3A_231 = arith.constant 0 : i32
        %select_n3A_232 = arith.constant 1 : i32
        %select_n3A_233 = arith.select %select_n3A_230, %select_n3A_232, %select_n3A_231 : i32
        %eq3A_234 = arith.constant 1 : i32
        %eq3A_235 = arith.cmpi eq, %select_n3A_233, %eq3A_234 : i32
        %select_n3A_236 = arith.constant 0 : i32
        %select_n3A_237 = arith.select %eq3A_235, %select_n3A_236, %select_n3A_233 : i32
        %add3A_238 = arith.constant 1 : i32
        %add3A_239 = arith.addi %scan3A_201, %add3A_238 : i32
        %select_n3A_240 = arith.select %eq3A_235, %add3A_239, %scan3A_201 : i32
        %eq3A_241 = arith.constant 50 : i32
        %eq3A_242 = arith.cmpi eq, %select_n3A_240, %eq3A_241 : i32
        %select_n3A_243 = arith.constant 0 : i32
        %select_n3A_244 = arith.select %eq3A_242, %select_n3A_243, %select_n3A_240 : i32
        %add3A_245 = arith.constant 0 : i32
        %add3A_246 = arith.addi %select_n3A_244, %add3A_245 : i32
        %add3A_247 = arith.constant 0 : i32
        %add3A_248 = arith.addi %add3A_247, %mul3A_6 : i32
        %select_n3A_249 = arith.constant true
        %select_n3A_250 = arith.constant 0 : i32
        %select_n3A_251 = arith.constant 1 : i32
        %select_n3A_252 = arith.select %select_n3A_249, %select_n3A_251, %select_n3A_250 : i32
        %eq3A_253 = arith.constant 1 : i32
        %eq3A_254 = arith.cmpi eq, %select_n3A_252, %eq3A_253 : i32
        %select_n3A_255 = arith.constant 0 : i32
        %select_n3A_256 = arith.select %eq3A_254, %select_n3A_255, %select_n3A_252 : i32
        %add3A_257 = arith.constant 1 : i32
        %add3A_258 = arith.addi %select_n3A_244, %add3A_257 : i32
        %select_n3A_259 = arith.select %eq3A_254, %add3A_258, %select_n3A_244 : i32
        %eq3A_260 = arith.constant 50 : i32
        %eq3A_261 = arith.cmpi eq, %select_n3A_259, %eq3A_260 : i32
        %select_n3A_262 = arith.constant 0 : i32
        %select_n3A_263 = arith.select %eq3A_261, %select_n3A_262, %select_n3A_259 : i32
        %add3A_264 = arith.constant 0 : i32
        %add3A_265 = arith.addi %select_n3A_263, %add3A_264 : i32
        %add3A_266 = arith.constant 0 : i32
        %add3A_267 = arith.addi %add3A_266, %mul3A_6 : i32
        %ne3A = arith.cmpi ne, %add3A_208, %add3A_246 : i32
        %ne3A_268 = arith.cmpi ne, %add3A_210, %add3A_248 : i32
        %or3A = arith.constant false
        %or3A_269 = arith.ori %or3A, %ne3A : i1
        %or3A_270 = arith.ori %or3A_269, %ne3A_268 : i1
        %ge3A = arith.constant 49 : i32
        %ge3A_271 = arith.cmpi sge, %scan3A_196, %ge3A : i32
        %not3A = arith.constant true
        %not3A_272 = arith.xori %ge3A_271, %not3A : i1
        %and3A = arith.andi %or3A_270, %not3A_272 : i1
        %convert_element_type3A = arith.extui %and3A : i1 to i32
        %cond3A = arith.constant 0 : i32
        %cond3A_273 = arith.cmpi ne, %convert_element_type3A, %cond3A : i32
        scf.if %cond3A_273 {
          "tpu.trace_start"() <{level = 10 : i32, message = "ep_copy_in"}> : () -> ()
          %rem3A_401 = arith.constant 2 : i32
          %rem3A_402 = arith.remui %scan3A_197, %rem3A_401 : i32
          %mul3A_403 = arith.constant 1 : i32
          %mul3A_404 = arith.muli %mul3A_403, %add3A_246 : i32
          %mul3A_405 = arith.constant 512 : i32
          %mul3A_406 = arith.muli %mul3A_405, %add3A_248 : i32
          %dma_start3A_407 = arith.constant 0 : i32
          %dma_start3A_408 = arith.constant 0 : i32
          %dma_start3A_409 = tpu.memref_slice %run_scoped3A[%rem3A_402, %dma_start3A_407, %dma_start3A_408] : memref<2x1x512xi32, #tpu.memory_space<vmem>> -> memref<1x1x512xi32, #tpu.memory_space<vmem>>
          %dma_start3A_410 = tpu.memref_squeeze %dma_start3A_409 : memref<1x1x512xi32, #tpu.memory_space<vmem>> -> memref<1x512xi32, #tpu.memory_space<vmem>>
          %dma_start3A_411 = tpu.memref_slice %arg3[%mul3A_404, %mul3A_406] : memref<50x16384xi32, #tpu.memory_space<hbm>> -> memref<1x512xi32, #tpu.memory_space<hbm>>
          %dma_start3A_412 = tpu.memref_slice %run_scoped3A_7[%rem3A_402] : memref<2x!tpu.dma_semaphore, #tpu.memory_space<semaphore_mem>> -> memref<1x!tpu.dma_semaphore, #tpu.memory_space<semaphore_mem>>
          %dma_start3A_413 = tpu.memref_squeeze %dma_start3A_412 : memref<1x!tpu.dma_semaphore, #tpu.memory_space<semaphore_mem>> -> memref<!tpu.dma_semaphore, #tpu.memory_space<semaphore_mem>>
          %dma_start3A_414 = arith.constant 0 : i32
          %dma_start3A_415 = arith.constant 0 : i32
          %dma_start3A_416 = tpu.memref_slice %run_scoped3A[%rem3A_402, %dma_start3A_414, %dma_start3A_415] : memref<2x1x512xi32, #tpu.memory_space<vmem>> -> memref<1x1x512xi32, #tpu.memory_space<vmem>>
          %dma_start3A_417 = tpu.memref_squeeze %dma_start3A_416 : memref<1x1x512xi32, #tpu.memory_space<vmem>> -> memref<1x512xi32, #tpu.memory_space<vmem>>
          %dma_start3A_418 = tpu.memref_slice %arg3[%mul3A_404, %mul3A_406] : memref<50x16384xi32, #tpu.memory_space<hbm>> -> memref<1x512xi32, #tpu.memory_space<hbm>>
          tpu.enqueue_dma source(%dma_start3A_418 : memref<1x512xi32, #tpu.memory_space<hbm>>) target(%dma_start3A_417 : memref<1x512xi32, #tpu.memory_space<vmem>>) target_semaphore(%dma_start3A_413 : memref<!tpu.dma_semaphore, #tpu.memory_space<semaphore_mem>>)
          "tpu.trace_stop"() : () -> ()
        } else {
        }
        %and3A_274 = arith.constant true
        %and3A_275 = arith.andi %and3A, %and3A_274 : i1
        %add3A_276 = arith.constant 1 : i32
        %add3A_277 = arith.addi %scan3A_197, %add3A_276 : i32
        %select_n3A_278 = arith.select %and3A_275, %add3A_277, %scan3A_197 : i32
        %ne3A_279 = arith.cmpi ne, %add3A_208, %add3A_246 : i32
        %ne3A_280 = arith.cmpi ne, %add3A_210, %add3A_248 : i32
        %or3A_281 = arith.constant false
        %or3A_282 = arith.ori %or3A_281, %ne3A_279 : i1
        %or3A_283 = arith.constant false
        %or3A_284 = arith.ori %or3A_282, %or3A_283 : i1
        %or3A_285 = arith.ori %or3A_284, %ne3A_280 : i1
        %ge3A_286 = arith.constant 49 : i32
        %ge3A_287 = arith.cmpi sge, %scan3A_196, %ge3A_286 : i32
        %not3A_288 = arith.constant true
        %not3A_289 = arith.xori %ge3A_287, %not3A_288 : i1
        %and3A_290 = arith.andi %or3A_285, %not3A_289 : i1
        %ne3A_291 = arith.cmpi ne, %add3A_208, %add3A_227 : i32
        %ne3A_292 = arith.cmpi ne, %add3A_210, %add3A_229 : i32
        %or3A_293 = arith.constant false
        %or3A_294 = arith.ori %or3A_293, %ne3A_291 : i1
        %or3A_295 = arith.ori %or3A_294, %ne3A_292 : i1
        %or3A_296 = arith.ori %or3A_295, %eq3A_204 : i1
        %convert_element_type3A_297 = arith.extui %or3A_296 : i1 to i32
        %cond3A_298 = arith.constant 0 : i32
        %cond3A_299 = arith.cmpi ne, %convert_element_type3A_297, %cond3A_298 : i32
        scf.if %cond3A_299 {
          "tpu.trace_start"() <{level = 10 : i32, message = "ep_wait_in"}> : () -> ()
          %mul3A_401 = arith.constant 1 : i32
          %mul3A_402 = arith.muli %mul3A_401, %add3A_208 : i32
          %mul3A_403 = arith.constant 512 : i32
          %mul3A_404 = arith.muli %mul3A_403, %add3A_210 : i32
          %rem3A_405 = arith.constant 2 : i32
          %rem3A_406 = arith.remui %scan3A_198, %rem3A_405 : i32
          %dma_wait3A_407 = arith.constant 0 : i32
          %dma_wait3A_408 = arith.constant 0 : i32
          %dma_wait3A_409 = tpu.memref_slice %run_scoped3A[%rem3A_406, %dma_wait3A_407, %dma_wait3A_408] : memref<2x1x512xi32, #tpu.memory_space<vmem>> -> memref<1x1x512xi32, #tpu.memory_space<vmem>>
          %dma_wait3A_410 = tpu.memref_squeeze %dma_wait3A_409 : memref<1x1x512xi32, #tpu.memory_space<vmem>> -> memref<1x512xi32, #tpu.memory_space<vmem>>
          %dma_wait3A_411 = tpu.memref_slice %arg3[%mul3A_402, %mul3A_404] : memref<50x16384xi32, #tpu.memory_space<hbm>> -> memref<1x512xi32, #tpu.memory_space<hbm>>
          %dma_wait3A_412 = tpu.memref_slice %run_scoped3A_7[%rem3A_406] : memref<2x!tpu.dma_semaphore, #tpu.memory_space<semaphore_mem>> -> memref<1x!tpu.dma_semaphore, #tpu.memory_space<semaphore_mem>>
          %dma_wait3A_413 = tpu.memref_squeeze %dma_wait3A_412 : memref<1x!tpu.dma_semaphore, #tpu.memory_space<semaphore_mem>> -> memref<!tpu.dma_semaphore, #tpu.memory_space<semaphore_mem>>
          %dma_wait3A_414 = arith.constant 0 : i32
          %dma_wait3A_415 = arith.constant 0 : i32
          %dma_wait3A_416 = tpu.memref_slice %run_scoped3A[%rem3A_406, %dma_wait3A_414, %dma_wait3A_415] : memref<2x1x512xi32, #tpu.memory_space<vmem>> -> memref<1x1x512xi32, #tpu.memory_space<vmem>>
          %dma_wait3A_417 = tpu.memref_squeeze %dma_wait3A_416 : memref<1x1x512xi32, #tpu.memory_space<vmem>> -> memref<1x512xi32, #tpu.memory_space<vmem>>
          %dma_wait3A_418 = tpu.memref_slice %arg3[%mul3A_402, %mul3A_404] : memref<50x16384xi32, #tpu.memory_space<hbm>> -> memref<1x512xi32, #tpu.memory_space<hbm>>
          tpu.wait_dma2 semaphore(%dma_wait3A_413 : memref<!tpu.dma_semaphore, #tpu.memory_space<semaphore_mem>>) src(%dma_wait3A_418 : memref<1x512xi32, #tpu.memory_space<hbm>>) dst(%dma_wait3A_417 : memref<1x512xi32, #tpu.memory_space<vmem>>)
          "tpu.trace_stop"() : () -> ()
        } else {
        }
        %ne3A_300 = arith.cmpi ne, %add3A_208, %add3A_227 : i32
        %ne3A_301 = arith.cmpi ne, %add3A_210, %add3A_229 : i32
        %or3A_302 = arith.constant false
        %or3A_303 = arith.ori %or3A_302, %ne3A_300 : i1
        %or3A_304 = arith.constant false
        %or3A_305 = arith.ori %or3A_303, %or3A_304 : i1
        %or3A_306 = arith.ori %or3A_305, %ne3A_301 : i1
        %or3A_307 = arith.ori %or3A_306, %eq3A_204 : i1
        %convert_element_type3A_308 = arith.extui %or3A_307 : i1 to i32
        %cond3A_309 = arith.constant 0 : i32
        %cond3A_310 = arith.cmpi ne, %convert_element_type3A_308, %cond3A_309 : i32
        scf.if %cond3A_310 {
        } else {
        }
        %rem3A_311 = arith.constant 2 : i32
        %rem3A_312 = arith.remui %scan3A_198, %rem3A_311 : i32
        %rem3A_313 = arith.constant 2 : i32
        %rem3A_314 = arith.remui %scan3A_199, %rem3A_313 : i32
        %run_scoped3A_315 = arith.constant 0 : i32
        "tpu.trace_start"() <{level = 10 : i32, message = "ep_run_kernel"}> : () -> ()
        "tpu.region"() ({
          %run_scoped3A_401 = tpu.sem_alloc : memref<!tpu.dma_semaphore, #tpu.memory_space<semaphore_mem>>
          %dma_start3A_402 = arith.constant 0 : i32
          %dma_start3A_403 = arith.constant 0 : i32
          %dma_start3A_404 = tpu.memref_slice %run_scoped3A[%rem3A_312, %dma_start3A_402, %dma_start3A_403] : memref<2x1x512xi32, #tpu.memory_space<vmem>> -> memref<1x1x512xi32, #tpu.memory_space<vmem>>
          %dma_start3A_405 = tpu.memref_squeeze %dma_start3A_404 : memref<1x1x512xi32, #tpu.memory_space<vmem>> -> memref<1x512xi32, #tpu.memory_space<vmem>>
          %dma_start3A_406 = arith.constant 0 : i32
          %dma_start3A_407 = tpu.memref_slice %dma_start3A_405[%run_scoped3A_315, %dma_start3A_406] : memref<1x512xi32, #tpu.memory_space<vmem>> -> memref<1x512xi32, #tpu.memory_space<vmem>>
          %dma_start3A_408 = tpu.memref_squeeze %dma_start3A_407 : memref<1x512xi32, #tpu.memory_space<vmem>> -> memref<512xi32, #tpu.memory_space<vmem>>
          %dma_start3A_409 = arith.constant 0 : i32
          %dma_start3A_410 = arith.constant 0 : i32
          %dma_start3A_411 = tpu.memref_slice %arg2[%dma_start3A_409, %dma_start3A_410] : memref<1000000x32xf32, #tpu.memory_space<hbm>> -> memref<1000000x32xf32, #tpu.memory_space<hbm>>
          tpu.enqueue_indirect_dma source(%dma_start3A_411 : memref<1000000x32xf32, #tpu.memory_space<hbm>>) target(%arg5 : memref<512x32xf32, #tpu.memory_space<vmem>>) offsets(%dma_start3A_408 : memref<512xi32, #tpu.memory_space<vmem>>) semaphore(%run_scoped3A_401 : memref<!tpu.dma_semaphore, #tpu.memory_space<semaphore_mem>>)
          %dma_wait3A_412 = arith.constant 0 : i32
          %dma_wait3A_413 = arith.constant 0 : i32
          %dma_wait3A_414 = tpu.memref_slice %run_scoped3A[%rem3A_312, %dma_wait3A_412, %dma_wait3A_413] : memref<2x1x512xi32, #tpu.memory_space<vmem>> -> memref<1x1x512xi32, #tpu.memory_space<vmem>>
          %dma_wait3A_415 = tpu.memref_squeeze %dma_wait3A_414 : memref<1x1x512xi32, #tpu.memory_space<vmem>> -> memref<1x512xi32, #tpu.memory_space<vmem>>
          %dma_wait3A_416 = arith.constant 0 : i32
          %dma_wait3A_417 = tpu.memref_slice %dma_wait3A_415[%run_scoped3A_315, %dma_wait3A_416] : memref<1x512xi32, #tpu.memory_space<vmem>> -> memref<1x512xi32, #tpu.memory_space<vmem>>
          %dma_wait3A_418 = tpu.memref_squeeze %dma_wait3A_417 : memref<1x512xi32, #tpu.memory_space<vmem>> -> memref<512xi32, #tpu.memory_space<vmem>>
          %dma_wait3A_419 = arith.constant 0 : i32
          %dma_wait3A_420 = arith.constant 0 : i32
          %dma_wait3A_421 = tpu.memref_slice %arg2[%dma_wait3A_419, %dma_wait3A_420] : memref<1000000x32xf32, #tpu.memory_space<hbm>> -> memref<1000000x32xf32, #tpu.memory_space<hbm>>
          tpu.wait_indirect_dma semaphore(%run_scoped3A_401 : memref<!tpu.dma_semaphore, #tpu.memory_space<semaphore_mem>>) src(%dma_wait3A_421 : memref<1000000x32xf32, #tpu.memory_space<hbm>>) dst(%arg5 : memref<512x32xf32, #tpu.memory_space<vmem>>)
          tpu.yield
        }) : () -> ()
        %iota3A = tpu.iota {dimensions = array<i32: 0>} : vector<16xi32>
        %parallel_loop3A = arith.constant 0 : i32
        %parallel_loop3A_316 = arith.constant 512 : i32
        %parallel_loop3A_317 = arith.constant 16 : i32
        scf.for %parallel_loop3A_401 = %parallel_loop3A to %parallel_loop3A_316 step %parallel_loop3A_317  : i32 {
          %parallel_loop3A_402 = vector.broadcast %parallel_loop3A_401 : i32 to vector<16xi32>
          %parallel_loop3A_403 = arith.addi %iota3A, %parallel_loop3A_402 : vector<16xi32>
          %parallel_loop3A_404 = arith.constant 0 : i32
          %parallel_loop3A_405 = vector.broadcast %parallel_loop3A_404 : i32 to vector<16xi32>
          %parallel_loop3A_406 = tpu.vector_load_idx %arg5[%parallel_loop3A_403, %parallel_loop3A_405] : memref<512x32xf32, #tpu.memory_space<vmem>>[vector<16xi32>, vector<16xi32>], vector<16xf32>,
          %parallel_loop3A_407 = arith.constant 0 : i32
          %parallel_loop3A_408 = arith.constant 0 : i32
          %parallel_loop3A_409 = arith.constant 0 : i32
          %parallel_loop3A_410 = arith.constant 0 : i32
          %parallel_loop3A_411 = arith.constant 0 : i32
          %parallel_loop3A_412 = tpu.memref_slice %run_scoped3A_8[%rem3A_314, %parallel_loop3A_409, %parallel_loop3A_410, %parallel_loop3A_411] : memref<2x1x32x512xf32, #tpu.memory_space<vmem>> -> memref<1x1x32x512xf32, #tpu.memory_space<vmem>>
          %parallel_loop3A_413 = tpu.memref_squeeze %parallel_loop3A_412 : memref<1x1x32x512xf32, #tpu.memory_space<vmem>> -> memref<1x32x512xf32, #tpu.memory_space<vmem>>
          %parallel_loop3A_414 = arith.index_cast %parallel_loop3A_407 : i32 to index
          %parallel_loop3A_415 = arith.index_cast %parallel_loop3A_408 : i32 to index
          %parallel_loop3A_416 = arith.index_cast %parallel_loop3A_401 : i32 to index
          %parallel_loop3A_417 = tpu.vector_load %parallel_loop3A_413[%parallel_loop3A_414, %parallel_loop3A_415, %parallel_loop3A_416] {strides = array<i32>} : memref<1x32x512xf32, #tpu.memory_space<vmem>>, vector<16xf32>,
          tpu.vector_store %parallel_loop3A_413[%parallel_loop3A_414, %parallel_loop3A_415, %parallel_loop3A_416], %parallel_loop3A_406 {strides = array<i32>} : memref<1x32x512xf32, #tpu.memory_space<vmem>>, vector<16xf32>,
          %parallel_loop3A_418 = arith.constant 1 : i32
          %parallel_loop3A_419 = vector.broadcast %parallel_loop3A_418 : i32 to vector<16xi32>
          %parallel_loop3A_420 = tpu.vector_load_idx %arg5[%parallel_loop3A_403, %parallel_loop3A_419] : memref<512x32xf32, #tpu.memory_space<vmem>>[vector<16xi32>, vector<16xi32>], vector<16xf32>,
          %parallel_loop3A_421 = arith.constant 0 : i32
          %parallel_loop3A_422 = arith.constant 1 : i32
          %parallel_loop3A_423 = arith.constant 0 : i32
          %parallel_loop3A_424 = arith.constant 0 : i32
          %parallel_loop3A_425 = arith.constant 0 : i32
          %parallel_loop3A_426 = tpu.memref_slice %run_scoped3A_8[%rem3A_314, %parallel_loop3A_423, %parallel_loop3A_424, %parallel_loop3A_425] : memref<2x1x32x512xf32, #tpu.memory_space<vmem>> -> memref<1x1x32x512xf32, #tpu.memory_space<vmem>>
          %parallel_loop3A_427 = tpu.memref_squeeze %parallel_loop3A_426 : memref<1x1x32x512xf32, #tpu.memory_space<vmem>> -> memref<1x32x512xf32, #tpu.memory_space<vmem>>
          %parallel_loop3A_428 = arith.index_cast %parallel_loop3A_421 : i32 to index
          %parallel_loop3A_429 = arith.index_cast %parallel_loop3A_422 : i32 to index
          %parallel_loop3A_430 = arith.index_cast %parallel_loop3A_401 : i32 to index
          %parallel_loop3A_431 = tpu.vector_load %parallel_loop3A_427[%parallel_loop3A_428, %parallel_loop3A_429, %parallel_loop3A_430] {strides = array<i32>} : memref<1x32x512xf32, #tpu.memory_space<vmem>>, vector<16xf32>,
          tpu.vector_store %parallel_loop3A_427[%parallel_loop3A_428, %parallel_loop3A_429, %parallel_loop3A_430], %parallel_loop3A_420 {strides = array<i32>} : memref<1x32x512xf32, #tpu.memory_space<vmem>>, vector<16xf32>,
          %parallel_loop3A_432 = arith.constant 2 : i32
          %parallel_loop3A_433 = vector.broadcast %parallel_loop3A_432 : i32 to vector<16xi32>
          %parallel_loop3A_434 = tpu.vector_load_idx %arg5[%parallel_loop3A_403, %parallel_loop3A_433] : memref<512x32xf32, #tpu.memory_space<vmem>>[vector<16xi32>, vector<16xi32>], vector<16xf32>,
          %parallel_loop3A_435 = arith.constant 0 : i32
          %parallel_loop3A_436 = arith.constant 2 : i32
          %parallel_loop3A_437 = arith.constant 0 : i32
          %parallel_loop3A_438 = arith.constant 0 : i32
          %parallel_loop3A_439 = arith.constant 0 : i32
          %parallel_loop3A_440 = tpu.memref_slice %run_scoped3A_8[%rem3A_314, %parallel_loop3A_437, %parallel_loop3A_438, %parallel_loop3A_439] : memref<2x1x32x512xf32, #tpu.memory_space<vmem>> -> memref<1x1x32x512xf32, #tpu.memory_space<vmem>>
          %parallel_loop3A_441 = tpu.memref_squeeze %parallel_loop3A_440 : memref<1x1x32x512xf32, #tpu.memory_space<vmem>> -> memref<1x32x512xf32, #tpu.memory_space<vmem>>
          %parallel_loop3A_442 = arith.index_cast %parallel_loop3A_435 : i32 to index
          %parallel_loop3A_443 = arith.index_cast %parallel_loop3A_436 : i32 to index
          %parallel_loop3A_444 = arith.index_cast %parallel_loop3A_401 : i32 to index
          %parallel_loop3A_445 = tpu.vector_load %parallel_loop3A_441[%parallel_loop3A_442, %parallel_loop3A_443, %parallel_loop3A_444] {strides = array<i32>} : memref<1x32x512xf32, #tpu.memory_space<vmem>>, vector<16xf32>,
          tpu.vector_store %parallel_loop3A_441[%parallel_loop3A_442, %parallel_loop3A_443, %parallel_loop3A_444], %parallel_loop3A_434 {strides = array<i32>} : memref<1x32x512xf32, #tpu.memory_space<vmem>>, vector<16xf32>,
          %parallel_loop3A_446 = arith.constant 3 : i32
          %parallel_loop3A_447 = vector.broadcast %parallel_loop3A_446 : i32 to vector<16xi32>
          %parallel_loop3A_448 = tpu.vector_load_idx %arg5[%parallel_loop3A_403, %parallel_loop3A_447] : memref<512x32xf32, #tpu.memory_space<vmem>>[vector<16xi32>, vector<16xi32>], vector<16xf32>,
          %parallel_loop3A_449 = arith.constant 0 : i32
          %parallel_loop3A_450 = arith.constant 3 : i32
          %parallel_loop3A_451 = arith.constant 0 : i32
          %parallel_loop3A_452 = arith.constant 0 : i32
          %parallel_loop3A_453 = arith.constant 0 : i32
          %parallel_loop3A_454 = tpu.memref_slice %run_scoped3A_8[%rem3A_314, %parallel_loop3A_451, %parallel_loop3A_452, %parallel_loop3A_453] : memref<2x1x32x512xf32, #tpu.memory_space<vmem>> -> memref<1x1x32x512xf32, #tpu.memory_space<vmem>>
          %parallel_loop3A_455 = tpu.memref_squeeze %parallel_loop3A_454 : memref<1x1x32x512xf32, #tpu.memory_space<vmem>> -> memref<1x32x512xf32, #tpu.memory_space<vmem>>
          %parallel_loop3A_456 = arith.index_cast %parallel_loop3A_449 : i32 to index
          %parallel_loop3A_457 = arith.index_cast %parallel_loop3A_450 : i32 to index
          %parallel_loop3A_458 = arith.index_cast %parallel_loop3A_401 : i32 to index
          %parallel_loop3A_459 = tpu.vector_load %parallel_loop3A_455[%parallel_loop3A_456, %parallel_loop3A_457, %parallel_loop3A_458] {strides = array<i32>} : memref<1x32x512xf32, #tpu.memory_space<vmem>>, vector<16xf32>,
          tpu.vector_store %parallel_loop3A_455[%parallel_loop3A_456, %parallel_loop3A_457, %parallel_loop3A_458], %parallel_loop3A_448 {strides = array<i32>} : memref<1x32x512xf32, #tpu.memory_space<vmem>>, vector<16xf32>,
          %parallel_loop3A_460 = arith.constant 4 : i32
          %parallel_loop3A_461 = vector.broadcast %parallel_loop3A_460 : i32 to vector<16xi32>
          %parallel_loop3A_462 = tpu.vector_load_idx %arg5[%parallel_loop3A_403, %parallel_loop3A_461] : memref<512x32xf32, #tpu.memory_space<vmem>>[vector<16xi32>, vector<16xi32>], vector<16xf32>,
          %parallel_loop3A_463 = arith.constant 0 : i32
          %parallel_loop3A_464 = arith.constant 4 : i32
          %parallel_loop3A_465 = arith.constant 0 : i32
          %parallel_loop3A_466 = arith.constant 0 : i32
          %parallel_loop3A_467 = arith.constant 0 : i32
          %parallel_loop3A_468 = tpu.memref_slice %run_scoped3A_8[%rem3A_314, %parallel_loop3A_465, %parallel_loop3A_466, %parallel_loop3A_467] : memref<2x1x32x512xf32, #tpu.memory_space<vmem>> -> memref<1x1x32x512xf32, #tpu.memory_space<vmem>>
          %parallel_loop3A_469 = tpu.memref_squeeze %parallel_loop3A_468 : memref<1x1x32x512xf32, #tpu.memory_space<vmem>> -> memref<1x32x512xf32, #tpu.memory_space<vmem>>
          %parallel_loop3A_470 = arith.index_cast %parallel_loop3A_463 : i32 to index
          %parallel_loop3A_471 = arith.index_cast %parallel_loop3A_464 : i32 to index
          %parallel_loop3A_472 = arith.index_cast %parallel_loop3A_401 : i32 to index
          %parallel_loop3A_473 = tpu.vector_load %parallel_loop3A_469[%parallel_loop3A_470, %parallel_loop3A_471, %parallel_loop3A_472] {strides = array<i32>} : memref<1x32x512xf32, #tpu.memory_space<vmem>>, vector<16xf32>,
          tpu.vector_store %parallel_loop3A_469[%parallel_loop3A_470, %parallel_loop3A_471, %parallel_loop3A_472], %parallel_loop3A_462 {strides = array<i32>} : memref<1x32x512xf32, #tpu.memory_space<vmem>>, vector<16xf32>,
          %parallel_loop3A_474 = arith.constant 5 : i32
          %parallel_loop3A_475 = vector.broadcast %parallel_loop3A_474 : i32 to vector<16xi32>
          %parallel_loop3A_476 = tpu.vector_load_idx %arg5[%parallel_loop3A_403, %parallel_loop3A_475] : memref<512x32xf32, #tpu.memory_space<vmem>>[vector<16xi32>, vector<16xi32>], vector<16xf32>,
          %parallel_loop3A_477 = arith.constant 0 : i32
          %parallel_loop3A_478 = arith.constant 5 : i32
          %parallel_loop3A_479 = arith.constant 0 : i32
          %parallel_loop3A_480 = arith.constant 0 : i32
          %parallel_loop3A_481 = arith.constant 0 : i32
          %parallel_loop3A_482 = tpu.memref_slice %run_scoped3A_8[%rem3A_314, %parallel_loop3A_479, %parallel_loop3A_480, %parallel_loop3A_481] : memref<2x1x32x512xf32, #tpu.memory_space<vmem>> -> memref<1x1x32x512xf32, #tpu.memory_space<vmem>>
          %parallel_loop3A_483 = tpu.memref_squeeze %parallel_loop3A_482 : memref<1x1x32x512xf32, #tpu.memory_space<vmem>> -> memref<1x32x512xf32, #tpu.memory_space<vmem>>
          %parallel_loop3A_484 = arith.index_cast %parallel_loop3A_477 : i32 to index
          %parallel_loop3A_485 = arith.index_cast %parallel_loop3A_478 : i32 to index
          %parallel_loop3A_486 = arith.index_cast %parallel_loop3A_401 : i32 to index
          %parallel_loop3A_487 = tpu.vector_load %parallel_loop3A_483[%parallel_loop3A_484, %parallel_loop3A_485, %parallel_loop3A_486] {strides = array<i32>} : memref<1x32x512xf32, #tpu.memory_space<vmem>>, vector<16xf32>,
          tpu.vector_store %parallel_loop3A_483[%parallel_loop3A_484, %parallel_loop3A_485, %parallel_loop3A_486], %parallel_loop3A_476 {strides = array<i32>} : memref<1x32x512xf32, #tpu.memory_space<vmem>>, vector<16xf32>,
          %parallel_loop3A_488 = arith.constant 6 : i32
          %parallel_loop3A_489 = vector.broadcast %parallel_loop3A_488 : i32 to vector<16xi32>
          %parallel_loop3A_490 = tpu.vector_load_idx %arg5[%parallel_loop3A_403, %parallel_loop3A_489] : memref<512x32xf32, #tpu.memory_space<vmem>>[vector<16xi32>, vector<16xi32>], vector<16xf32>,
          %parallel_loop3A_491 = arith.constant 0 : i32
          %parallel_loop3A_492 = arith.constant 6 : i32
          %parallel_loop3A_493 = arith.constant 0 : i32
          %parallel_loop3A_494 = arith.constant 0 : i32
          %parallel_loop3A_495 = arith.constant 0 : i32
          %parallel_loop3A_496 = tpu.memref_slice %run_scoped3A_8[%rem3A_314, %parallel_loop3A_493, %parallel_loop3A_494, %parallel_loop3A_495] : memref<2x1x32x512xf32, #tpu.memory_space<vmem>> -> memref<1x1x32x512xf32, #tpu.memory_space<vmem>>
          %parallel_loop3A_497 = tpu.memref_squeeze %parallel_loop3A_496 : memref<1x1x32x512xf32, #tpu.memory_space<vmem>> -> memref<1x32x512xf32, #tpu.memory_space<vmem>>
          %parallel_loop3A_498 = arith.index_cast %parallel_loop3A_491 : i32 to index
          %parallel_loop3A_499 = arith.index_cast %parallel_loop3A_492 : i32 to index
          %parallel_loop3A_500 = arith.index_cast %parallel_loop3A_401 : i32 to index
          %parallel_loop3A_501 = tpu.vector_load %parallel_loop3A_497[%parallel_loop3A_498, %parallel_loop3A_499, %parallel_loop3A_500] {strides = array<i32>} : memref<1x32x512xf32, #tpu.memory_space<vmem>>, vector<16xf32>,
          tpu.vector_store %parallel_loop3A_497[%parallel_loop3A_498, %parallel_loop3A_499, %parallel_loop3A_500], %parallel_loop3A_490 {strides = array<i32>} : memref<1x32x512xf32, #tpu.memory_space<vmem>>, vector<16xf32>,
          %parallel_loop3A_502 = arith.constant 7 : i32
          %parallel_loop3A_503 = vector.broadcast %parallel_loop3A_502 : i32 to vector<16xi32>
          %parallel_loop3A_504 = tpu.vector_load_idx %arg5[%parallel_loop3A_403, %parallel_loop3A_503] : memref<512x32xf32, #tpu.memory_space<vmem>>[vector<16xi32>, vector<16xi32>], vector<16xf32>,
          %parallel_loop3A_505 = arith.constant 0 : i32
          %parallel_loop3A_506 = arith.constant 7 : i32
          %parallel_loop3A_507 = arith.constant 0 : i32
          %parallel_loop3A_508 = arith.constant 0 : i32
          %parallel_loop3A_509 = arith.constant 0 : i32
          %parallel_loop3A_510 = tpu.memref_slice %run_scoped3A_8[%rem3A_314, %parallel_loop3A_507, %parallel_loop3A_508, %parallel_loop3A_509] : memref<2x1x32x512xf32, #tpu.memory_space<vmem>> -> memref<1x1x32x512xf32, #tpu.memory_space<vmem>>
          %parallel_loop3A_511 = tpu.memref_squeeze %parallel_loop3A_510 : memref<1x1x32x512xf32, #tpu.memory_space<vmem>> -> memref<1x32x512xf32, #tpu.memory_space<vmem>>
          %parallel_loop3A_512 = arith.index_cast %parallel_loop3A_505 : i32 to index
          %parallel_loop3A_513 = arith.index_cast %parallel_loop3A_506 : i32 to index
          %parallel_loop3A_514 = arith.index_cast %parallel_loop3A_401 : i32 to index
          %parallel_loop3A_515 = tpu.vector_load %parallel_loop3A_511[%parallel_loop3A_512, %parallel_loop3A_513, %parallel_loop3A_514] {strides = array<i32>} : memref<1x32x512xf32, #tpu.memory_space<vmem>>, vector<16xf32>,
          tpu.vector_store %parallel_loop3A_511[%parallel_loop3A_512, %parallel_loop3A_513, %parallel_loop3A_514], %parallel_loop3A_504 {strides = array<i32>} : memref<1x32x512xf32, #tpu.memory_space<vmem>>, vector<16xf32>,
          %parallel_loop3A_516 = arith.constant 8 : i32
          %parallel_loop3A_517 = vector.broadcast %parallel_loop3A_516 : i32 to vector<16xi32>
          %parallel_loop3A_518 = tpu.vector_load_idx %arg5[%parallel_loop3A_403, %parallel_loop3A_517] : memref<512x32xf32, #tpu.memory_space<vmem>>[vector<16xi32>, vector<16xi32>], vector<16xf32>,
          %parallel_loop3A_519 = arith.constant 0 : i32
          %parallel_loop3A_520 = arith.constant 8 : i32
          %parallel_loop3A_521 = arith.constant 0 : i32
          %parallel_loop3A_522 = arith.constant 0 : i32
          %parallel_loop3A_523 = arith.constant 0 : i32
          %parallel_loop3A_524 = tpu.memref_slice %run_scoped3A_8[%rem3A_314, %parallel_loop3A_521, %parallel_loop3A_522, %parallel_loop3A_523] : memref<2x1x32x512xf32, #tpu.memory_space<vmem>> -> memref<1x1x32x512xf32, #tpu.memory_space<vmem>>
          %parallel_loop3A_525 = tpu.memref_squeeze %parallel_loop3A_524 : memref<1x1x32x512xf32, #tpu.memory_space<vmem>> -> memref<1x32x512xf32, #tpu.memory_space<vmem>>
          %parallel_loop3A_526 = arith.index_cast %parallel_loop3A_519 : i32 to index
          %parallel_loop3A_527 = arith.index_cast %parallel_loop3A_520 : i32 to index
          %parallel_loop3A_528 = arith.index_cast %parallel_loop3A_401 : i32 to index
          %parallel_loop3A_529 = tpu.vector_load %parallel_loop3A_525[%parallel_loop3A_526, %parallel_loop3A_527, %parallel_loop3A_528] {strides = array<i32>} : memref<1x32x512xf32, #tpu.memory_space<vmem>>, vector<16xf32>,
          tpu.vector_store %parallel_loop3A_525[%parallel_loop3A_526, %parallel_loop3A_527, %parallel_loop3A_528], %parallel_loop3A_518 {strides = array<i32>} : memref<1x32x512xf32, #tpu.memory_space<vmem>>, vector<16xf32>,
          %parallel_loop3A_530 = arith.constant 9 : i32
          %parallel_loop3A_531 = vector.broadcast %parallel_loop3A_530 : i32 to vector<16xi32>
          %parallel_loop3A_532 = tpu.vector_load_idx %arg5[%parallel_loop3A_403, %parallel_loop3A_531] : memref<512x32xf32, #tpu.memory_space<vmem>>[vector<16xi32>, vector<16xi32>], vector<16xf32>,
          %parallel_loop3A_533 = arith.constant 0 : i32
          %parallel_loop3A_534 = arith.constant 9 : i32
          %parallel_loop3A_535 = arith.constant 0 : i32
          %parallel_loop3A_536 = arith.constant 0 : i32
          %parallel_loop3A_537 = arith.constant 0 : i32
          %parallel_loop3A_538 = tpu.memref_slice %run_scoped3A_8[%rem3A_314, %parallel_loop3A_535, %parallel_loop3A_536, %parallel_loop3A_537] : memref<2x1x32x512xf32, #tpu.memory_space<vmem>> -> memref<1x1x32x512xf32, #tpu.memory_space<vmem>>
          %parallel_loop3A_539 = tpu.memref_squeeze %parallel_loop3A_538 : memref<1x1x32x512xf32, #tpu.memory_space<vmem>> -> memref<1x32x512xf32, #tpu.memory_space<vmem>>
          %parallel_loop3A_540 = arith.index_cast %parallel_loop3A_533 : i32 to index
          %parallel_loop3A_541 = arith.index_cast %parallel_loop3A_534 : i32 to index
          %parallel_loop3A_542 = arith.index_cast %parallel_loop3A_401 : i32 to index
          %parallel_loop3A_543 = tpu.vector_load %parallel_loop3A_539[%parallel_loop3A_540, %parallel_loop3A_541, %parallel_loop3A_542] {strides = array<i32>} : memref<1x32x512xf32, #tpu.memory_space<vmem>>, vector<16xf32>,
          tpu.vector_store %parallel_loop3A_539[%parallel_loop3A_540, %parallel_loop3A_541, %parallel_loop3A_542], %parallel_loop3A_532 {strides = array<i32>} : memref<1x32x512xf32, #tpu.memory_space<vmem>>, vector<16xf32>,
          %parallel_loop3A_544 = arith.constant 10 : i32
          %parallel_loop3A_545 = vector.broadcast %parallel_loop3A_544 : i32 to vector<16xi32>
          %parallel_loop3A_546 = tpu.vector_load_idx %arg5[%parallel_loop3A_403, %parallel_loop3A_545] : memref<512x32xf32, #tpu.memory_space<vmem>>[vector<16xi32>, vector<16xi32>], vector<16xf32>,
          %parallel_loop3A_547 = arith.constant 0 : i32
          %parallel_loop3A_548 = arith.constant 10 : i32
          %parallel_loop3A_549 = arith.constant 0 : i32
          %parallel_loop3A_550 = arith.constant 0 : i32
          %parallel_loop3A_551 = arith.constant 0 : i32
          %parallel_loop3A_552 = tpu.memref_slice %run_scoped3A_8[%rem3A_314, %parallel_loop3A_549, %parallel_loop3A_550, %parallel_loop3A_551] : memref<2x1x32x512xf32, #tpu.memory_space<vmem>> -> memref<1x1x32x512xf32, #tpu.memory_space<vmem>>
          %parallel_loop3A_553 = tpu.memref_squeeze %parallel_loop3A_552 : memref<1x1x32x512xf32, #tpu.memory_space<vmem>> -> memref<1x32x512xf32, #tpu.memory_space<vmem>>
          %parallel_loop3A_554 = arith.index_cast %parallel_loop3A_547 : i32 to index
          %parallel_loop3A_555 = arith.index_cast %parallel_loop3A_548 : i32 to index
          %parallel_loop3A_556 = arith.index_cast %parallel_loop3A_401 : i32 to index
          %parallel_loop3A_557 = tpu.vector_load %parallel_loop3A_553[%parallel_loop3A_554, %parallel_loop3A_555, %parallel_loop3A_556] {strides = array<i32>} : memref<1x32x512xf32, #tpu.memory_space<vmem>>, vector<16xf32>,
          tpu.vector_store %parallel_loop3A_553[%parallel_loop3A_554, %parallel_loop3A_555, %parallel_loop3A_556], %parallel_loop3A_546 {strides = array<i32>} : memref<1x32x512xf32, #tpu.memory_space<vmem>>, vector<16xf32>,
          %parallel_loop3A_558 = arith.constant 11 : i32
          %parallel_loop3A_559 = vector.broadcast %parallel_loop3A_558 : i32 to vector<16xi32>
          %parallel_loop3A_560 = tpu.vector_load_idx %arg5[%parallel_loop3A_403, %parallel_loop3A_559] : memref<512x32xf32, #tpu.memory_space<vmem>>[vector<16xi32>, vector<16xi32>], vector<16xf32>,
          %parallel_loop3A_561 = arith.constant 0 : i32
          %parallel_loop3A_562 = arith.constant 11 : i32
          %parallel_loop3A_563 = arith.constant 0 : i32
          %parallel_loop3A_564 = arith.constant 0 : i32
          %parallel_loop3A_565 = arith.constant 0 : i32
          %parallel_loop3A_566 = tpu.memref_slice %run_scoped3A_8[%rem3A_314, %parallel_loop3A_563, %parallel_loop3A_564, %parallel_loop3A_565] : memref<2x1x32x512xf32, #tpu.memory_space<vmem>> -> memref<1x1x32x512xf32, #tpu.memory_space<vmem>>
          %parallel_loop3A_567 = tpu.memref_squeeze %parallel_loop3A_566 : memref<1x1x32x512xf32, #tpu.memory_space<vmem>> -> memref<1x32x512xf32, #tpu.memory_space<vmem>>
          %parallel_loop3A_568 = arith.index_cast %parallel_loop3A_561 : i32 to index
          %parallel_loop3A_569 = arith.index_cast %parallel_loop3A_562 : i32 to index
          %parallel_loop3A_570 = arith.index_cast %parallel_loop3A_401 : i32 to index
          %parallel_loop3A_571 = tpu.vector_load %parallel_loop3A_567[%parallel_loop3A_568, %parallel_loop3A_569, %parallel_loop3A_570] {strides = array<i32>} : memref<1x32x512xf32, #tpu.memory_space<vmem>>, vector<16xf32>,
          tpu.vector_store %parallel_loop3A_567[%parallel_loop3A_568, %parallel_loop3A_569, %parallel_loop3A_570], %parallel_loop3A_560 {strides = array<i32>} : memref<1x32x512xf32, #tpu.memory_space<vmem>>, vector<16xf32>,
          %parallel_loop3A_572 = arith.constant 12 : i32
          %parallel_loop3A_573 = vector.broadcast %parallel_loop3A_572 : i32 to vector<16xi32>
          %parallel_loop3A_574 = tpu.vector_load_idx %arg5[%parallel_loop3A_403, %parallel_loop3A_573] : memref<512x32xf32, #tpu.memory_space<vmem>>[vector<16xi32>, vector<16xi32>], vector<16xf32>,
          %parallel_loop3A_575 = arith.constant 0 : i32
          %parallel_loop3A_576 = arith.constant 12 : i32
          %parallel_loop3A_577 = arith.constant 0 : i32
          %parallel_loop3A_578 = arith.constant 0 : i32
          %parallel_loop3A_579 = arith.constant 0 : i32
          %parallel_loop3A_580 = tpu.memref_slice %run_scoped3A_8[%rem3A_314, %parallel_loop3A_577, %parallel_loop3A_578, %parallel_loop3A_579] : memref<2x1x32x512xf32, #tpu.memory_space<vmem>> -> memref<1x1x32x512xf32, #tpu.memory_space<vmem>>
          %parallel_loop3A_581 = tpu.memref_squeeze %parallel_loop3A_580 : memref<1x1x32x512xf32, #tpu.memory_space<vmem>> -> memref<1x32x512xf32, #tpu.memory_space<vmem>>
          %parallel_loop3A_582 = arith.index_cast %parallel_loop3A_575 : i32 to index
          %parallel_loop3A_583 = arith.index_cast %parallel_loop3A_576 : i32 to index
          %parallel_loop3A_584 = arith.index_cast %parallel_loop3A_401 : i32 to index
          %parallel_loop3A_585 = tpu.vector_load %parallel_loop3A_581[%parallel_loop3A_582, %parallel_loop3A_583, %parallel_loop3A_584] {strides = array<i32>} : memref<1x32x512xf32, #tpu.memory_space<vmem>>, vector<16xf32>,
          tpu.vector_store %parallel_loop3A_581[%parallel_loop3A_582, %parallel_loop3A_583, %parallel_loop3A_584], %parallel_loop3A_574 {strides = array<i32>} : memref<1x32x512xf32, #tpu.memory_space<vmem>>, vector<16xf32>,
          %parallel_loop3A_586 = arith.constant 13 : i32
          %parallel_loop3A_587 = vector.broadcast %parallel_loop3A_586 : i32 to vector<16xi32>
          %parallel_loop3A_588 = tpu.vector_load_idx %arg5[%parallel_loop3A_403, %parallel_loop3A_587] : memref<512x32xf32, #tpu.memory_space<vmem>>[vector<16xi32>, vector<16xi32>], vector<16xf32>,
          %parallel_loop3A_589 = arith.constant 0 : i32
          %parallel_loop3A_590 = arith.constant 13 : i32
          %parallel_loop3A_591 = arith.constant 0 : i32
          %parallel_loop3A_592 = arith.constant 0 : i32
          %parallel_loop3A_593 = arith.constant 0 : i32
          %parallel_loop3A_594 = tpu.memref_slice %run_scoped3A_8[%rem3A_314, %parallel_loop3A_591, %parallel_loop3A_592, %parallel_loop3A_593] : memref<2x1x32x512xf32, #tpu.memory_space<vmem>> -> memref<1x1x32x512xf32, #tpu.memory_space<vmem>>
          %parallel_loop3A_595 = tpu.memref_squeeze %parallel_loop3A_594 : memref<1x1x32x512xf32, #tpu.memory_space<vmem>> -> memref<1x32x512xf32, #tpu.memory_space<vmem>>
          %parallel_loop3A_596 = arith.index_cast %parallel_loop3A_589 : i32 to index
          %parallel_loop3A_597 = arith.index_cast %parallel_loop3A_590 : i32 to index
          %parallel_loop3A_598 = arith.index_cast %parallel_loop3A_401 : i32 to index
          %parallel_loop3A_599 = tpu.vector_load %parallel_loop3A_595[%parallel_loop3A_596, %parallel_loop3A_597, %parallel_loop3A_598] {strides = array<i32>} : memref<1x32x512xf32, #tpu.memory_space<vmem>>, vector<16xf32>,
          tpu.vector_store %parallel_loop3A_595[%parallel_loop3A_596, %parallel_loop3A_597, %parallel_loop3A_598], %parallel_loop3A_588 {strides = array<i32>} : memref<1x32x512xf32, #tpu.memory_space<vmem>>, vector<16xf32>,
          %parallel_loop3A_600 = arith.constant 14 : i32
          %parallel_loop3A_601 = vector.broadcast %parallel_loop3A_600 : i32 to vector<16xi32>
          %parallel_loop3A_602 = tpu.vector_load_idx %arg5[%parallel_loop3A_403, %parallel_loop3A_601] : memref<512x32xf32, #tpu.memory_space<vmem>>[vector<16xi32>, vector<16xi32>], vector<16xf32>,
          %parallel_loop3A_603 = arith.constant 0 : i32
          %parallel_loop3A_604 = arith.constant 14 : i32
          %parallel_loop3A_605 = arith.constant 0 : i32
          %parallel_loop3A_606 = arith.constant 0 : i32
          %parallel_loop3A_607 = arith.constant 0 : i32
          %parallel_loop3A_608 = tpu.memref_slice %run_scoped3A_8[%rem3A_314, %parallel_loop3A_605, %parallel_loop3A_606, %parallel_loop3A_607] : memref<2x1x32x512xf32, #tpu.memory_space<vmem>> -> memref<1x1x32x512xf32, #tpu.memory_space<vmem>>
          %parallel_loop3A_609 = tpu.memref_squeeze %parallel_loop3A_608 : memref<1x1x32x512xf32, #tpu.memory_space<vmem>> -> memref<1x32x512xf32, #tpu.memory_space<vmem>>
          %parallel_loop3A_610 = arith.index_cast %parallel_loop3A_603 : i32 to index
          %parallel_loop3A_611 = arith.index_cast %parallel_loop3A_604 : i32 to index
          %parallel_loop3A_612 = arith.index_cast %parallel_loop3A_401 : i32 to index
          %parallel_loop3A_613 = tpu.vector_load %parallel_loop3A_609[%parallel_loop3A_610, %parallel_loop3A_611, %parallel_loop3A_612] {strides = array<i32>} : memref<1x32x512xf32, #tpu.memory_space<vmem>>, vector<16xf32>,
          tpu.vector_store %parallel_loop3A_609[%parallel_loop3A_610, %parallel_loop3A_611, %parallel_loop3A_612], %parallel_loop3A_602 {strides = array<i32>} : memref<1x32x512xf32, #tpu.memory_space<vmem>>, vector<16xf32>,
          %parallel_loop3A_614 = arith.constant 15 : i32
          %parallel_loop3A_615 = vector.broadcast %parallel_loop3A_614 : i32 to vector<16xi32>
          %parallel_loop3A_616 = tpu.vector_load_idx %arg5[%parallel_loop3A_403, %parallel_loop3A_615] : memref<512x32xf32, #tpu.memory_space<vmem>>[vector<16xi32>, vector<16xi32>], vector<16xf32>,
          %parallel_loop3A_617 = arith.constant 0 : i32
          %parallel_loop3A_618 = arith.constant 15 : i32
          %parallel_loop3A_619 = arith.constant 0 : i32
          %parallel_loop3A_620 = arith.constant 0 : i32
          %parallel_loop3A_621 = arith.constant 0 : i32
          %parallel_loop3A_622 = tpu.memref_slice %run_scoped3A_8[%rem3A_314, %parallel_loop3A_619, %parallel_loop3A_620, %parallel_loop3A_621] : memref<2x1x32x512xf32, #tpu.memory_space<vmem>> -> memref<1x1x32x512xf32, #tpu.memory_space<vmem>>
          %parallel_loop3A_623 = tpu.memref_squeeze %parallel_loop3A_622 : memref<1x1x32x512xf32, #tpu.memory_space<vmem>> -> memref<1x32x512xf32, #tpu.memory_space<vmem>>
          %parallel_loop3A_624 = arith.index_cast %parallel_loop3A_617 : i32 to index
          %parallel_loop3A_625 = arith.index_cast %parallel_loop3A_618 : i32 to index
          %parallel_loop3A_626 = arith.index_cast %parallel_loop3A_401 : i32 to index
          %parallel_loop3A_627 = tpu.vector_load %parallel_loop3A_623[%parallel_loop3A_624, %parallel_loop3A_625, %parallel_loop3A_626] {strides = array<i32>} : memref<1x32x512xf32, #tpu.memory_space<vmem>>, vector<16xf32>,
          tpu.vector_store %parallel_loop3A_623[%parallel_loop3A_624, %parallel_loop3A_625, %parallel_loop3A_626], %parallel_loop3A_616 {strides = array<i32>} : memref<1x32x512xf32, #tpu.memory_space<vmem>>, vector<16xf32>,
          %parallel_loop3A_628 = arith.constant 16 : i32
          %parallel_loop3A_629 = vector.broadcast %parallel_loop3A_628 : i32 to vector<16xi32>
          %parallel_loop3A_630 = tpu.vector_load_idx %arg5[%parallel_loop3A_403, %parallel_loop3A_629] : memref<512x32xf32, #tpu.memory_space<vmem>>[vector<16xi32>, vector<16xi32>], vector<16xf32>,
          %parallel_loop3A_631 = arith.constant 0 : i32
          %parallel_loop3A_632 = arith.constant 16 : i32
          %parallel_loop3A_633 = arith.constant 0 : i32
          %parallel_loop3A_634 = arith.constant 0 : i32
          %parallel_loop3A_635 = arith.constant 0 : i32
          %parallel_loop3A_636 = tpu.memref_slice %run_scoped3A_8[%rem3A_314, %parallel_loop3A_633, %parallel_loop3A_634, %parallel_loop3A_635] : memref<2x1x32x512xf32, #tpu.memory_space<vmem>> -> memref<1x1x32x512xf32, #tpu.memory_space<vmem>>
          %parallel_loop3A_637 = tpu.memref_squeeze %parallel_loop3A_636 : memref<1x1x32x512xf32, #tpu.memory_space<vmem>> -> memref<1x32x512xf32, #tpu.memory_space<vmem>>
          %parallel_loop3A_638 = arith.index_cast %parallel_loop3A_631 : i32 to index
          %parallel_loop3A_639 = arith.index_cast %parallel_loop3A_632 : i32 to index
          %parallel_loop3A_640 = arith.index_cast %parallel_loop3A_401 : i32 to index
          %parallel_loop3A_641 = tpu.vector_load %parallel_loop3A_637[%parallel_loop3A_638, %parallel_loop3A_639, %parallel_loop3A_640] {strides = array<i32>} : memref<1x32x512xf32, #tpu.memory_space<vmem>>, vector<16xf32>,
          tpu.vector_store %parallel_loop3A_637[%parallel_loop3A_638, %parallel_loop3A_639, %parallel_loop3A_640], %parallel_loop3A_630 {strides = array<i32>} : memref<1x32x512xf32, #tpu.memory_space<vmem>>, vector<16xf32>,
          %parallel_loop3A_642 = arith.constant 17 : i32
          %parallel_loop3A_643 = vector.broadcast %parallel_loop3A_642 : i32 to vector<16xi32>
          %parallel_loop3A_644 = tpu.vector_load_idx %arg5[%parallel_loop3A_403, %parallel_loop3A_643] : memref<512x32xf32, #tpu.memory_space<vmem>>[vector<16xi32>, vector<16xi32>], vector<16xf32>,
          %parallel_loop3A_645 = arith.constant 0 : i32
          %parallel_loop3A_646 = arith.constant 17 : i32
          %parallel_loop3A_647 = arith.constant 0 : i32
          %parallel_loop3A_648 = arith.constant 0 : i32
          %parallel_loop3A_649 = arith.constant 0 : i32
          %parallel_loop3A_650 = tpu.memref_slice %run_scoped3A_8[%rem3A_314, %parallel_loop3A_647, %parallel_loop3A_648, %parallel_loop3A_649] : memref<2x1x32x512xf32, #tpu.memory_space<vmem>> -> memref<1x1x32x512xf32, #tpu.memory_space<vmem>>
          %parallel_loop3A_651 = tpu.memref_squeeze %parallel_loop3A_650 : memref<1x1x32x512xf32, #tpu.memory_space<vmem>> -> memref<1x32x512xf32, #tpu.memory_space<vmem>>
          %parallel_loop3A_652 = arith.index_cast %parallel_loop3A_645 : i32 to index
          %parallel_loop3A_653 = arith.index_cast %parallel_loop3A_646 : i32 to index
          %parallel_loop3A_654 = arith.index_cast %parallel_loop3A_401 : i32 to index
          %parallel_loop3A_655 = tpu.vector_load %parallel_loop3A_651[%parallel_loop3A_652, %parallel_loop3A_653, %parallel_loop3A_654] {strides = array<i32>} : memref<1x32x512xf32, #tpu.memory_space<vmem>>, vector<16xf32>,
          tpu.vector_store %parallel_loop3A_651[%parallel_loop3A_652, %parallel_loop3A_653, %parallel_loop3A_654], %parallel_loop3A_644 {strides = array<i32>} : memref<1x32x512xf32, #tpu.memory_space<vmem>>, vector<16xf32>,
          %parallel_loop3A_656 = arith.constant 18 : i32
          %parallel_loop3A_657 = vector.broadcast %parallel_loop3A_656 : i32 to vector<16xi32>
          %parallel_loop3A_658 = tpu.vector_load_idx %arg5[%parallel_loop3A_403, %parallel_loop3A_657] : memref<512x32xf32, #tpu.memory_space<vmem>>[vector<16xi32>, vector<16xi32>], vector<16xf32>,
          %parallel_loop3A_659 = arith.constant 0 : i32
          %parallel_loop3A_660 = arith.constant 18 : i32
          %parallel_loop3A_661 = arith.constant 0 : i32
          %parallel_loop3A_662 = arith.constant 0 : i32
          %parallel_loop3A_663 = arith.constant 0 : i32
          %parallel_loop3A_664 = tpu.memref_slice %run_scoped3A_8[%rem3A_314, %parallel_loop3A_661, %parallel_loop3A_662, %parallel_loop3A_663] : memref<2x1x32x512xf32, #tpu.memory_space<vmem>> -> memref<1x1x32x512xf32, #tpu.memory_space<vmem>>
          %parallel_loop3A_665 = tpu.memref_squeeze %parallel_loop3A_664 : memref<1x1x32x512xf32, #tpu.memory_space<vmem>> -> memref<1x32x512xf32, #tpu.memory_space<vmem>>
          %parallel_loop3A_666 = arith.index_cast %parallel_loop3A_659 : i32 to index
          %parallel_loop3A_667 = arith.index_cast %parallel_loop3A_660 : i32 to index
          %parallel_loop3A_668 = arith.index_cast %parallel_loop3A_401 : i32 to index
          %parallel_loop3A_669 = tpu.vector_load %parallel_loop3A_665[%parallel_loop3A_666, %parallel_loop3A_667, %parallel_loop3A_668] {strides = array<i32>} : memref<1x32x512xf32, #tpu.memory_space<vmem>>, vector<16xf32>,
          tpu.vector_store %parallel_loop3A_665[%parallel_loop3A_666, %parallel_loop3A_667, %parallel_loop3A_668], %parallel_loop3A_658 {strides = array<i32>} : memref<1x32x512xf32, #tpu.memory_space<vmem>>, vector<16xf32>,
          %parallel_loop3A_670 = arith.constant 19 : i32
          %parallel_loop3A_671 = vector.broadcast %parallel_loop3A_670 : i32 to vector<16xi32>
          %parallel_loop3A_672 = tpu.vector_load_idx %arg5[%parallel_loop3A_403, %parallel_loop3A_671] : memref<512x32xf32, #tpu.memory_space<vmem>>[vector<16xi32>, vector<16xi32>], vector<16xf32>,
          %parallel_loop3A_673 = arith.constant 0 : i32
          %parallel_loop3A_674 = arith.constant 19 : i32
          %parallel_loop3A_675 = arith.constant 0 : i32
          %parallel_loop3A_676 = arith.constant 0 : i32
          %parallel_loop3A_677 = arith.constant 0 : i32
          %parallel_loop3A_678 = tpu.memref_slice %run_scoped3A_8[%rem3A_314, %parallel_loop3A_675, %parallel_loop3A_676, %parallel_loop3A_677] : memref<2x1x32x512xf32, #tpu.memory_space<vmem>> -> memref<1x1x32x512xf32, #tpu.memory_space<vmem>>
          %parallel_loop3A_679 = tpu.memref_squeeze %parallel_loop3A_678 : memref<1x1x32x512xf32, #tpu.memory_space<vmem>> -> memref<1x32x512xf32, #tpu.memory_space<vmem>>
          %parallel_loop3A_680 = arith.index_cast %parallel_loop3A_673 : i32 to index
          %parallel_loop3A_681 = arith.index_cast %parallel_loop3A_674 : i32 to index
          %parallel_loop3A_682 = arith.index_cast %parallel_loop3A_401 : i32 to index
          %parallel_loop3A_683 = tpu.vector_load %parallel_loop3A_679[%parallel_loop3A_680, %parallel_loop3A_681, %parallel_loop3A_682] {strides = array<i32>} : memref<1x32x512xf32, #tpu.memory_space<vmem>>, vector<16xf32>,
          tpu.vector_store %parallel_loop3A_679[%parallel_loop3A_680, %parallel_loop3A_681, %parallel_loop3A_682], %parallel_loop3A_672 {strides = array<i32>} : memref<1x32x512xf32, #tpu.memory_space<vmem>>, vector<16xf32>,
          %parallel_loop3A_684 = arith.constant 20 : i32
          %parallel_loop3A_685 = vector.broadcast %parallel_loop3A_684 : i32 to vector<16xi32>
          %parallel_loop3A_686 = tpu.vector_load_idx %arg5[%parallel_loop3A_403, %parallel_loop3A_685] : memref<512x32xf32, #tpu.memory_space<vmem>>[vector<16xi32>, vector<16xi32>], vector<16xf32>,
          %parallel_loop3A_687 = arith.constant 0 : i32
          %parallel_loop3A_688 = arith.constant 20 : i32
          %parallel_loop3A_689 = arith.constant 0 : i32
          %parallel_loop3A_690 = arith.constant 0 : i32
          %parallel_loop3A_691 = arith.constant 0 : i32
          %parallel_loop3A_692 = tpu.memref_slice %run_scoped3A_8[%rem3A_314, %parallel_loop3A_689, %parallel_loop3A_690, %parallel_loop3A_691] : memref<2x1x32x512xf32, #tpu.memory_space<vmem>> -> memref<1x1x32x512xf32, #tpu.memory_space<vmem>>
          %parallel_loop3A_693 = tpu.memref_squeeze %parallel_loop3A_692 : memref<1x1x32x512xf32, #tpu.memory_space<vmem>> -> memref<1x32x512xf32, #tpu.memory_space<vmem>>
          %parallel_loop3A_694 = arith.index_cast %parallel_loop3A_687 : i32 to index
          %parallel_loop3A_695 = arith.index_cast %parallel_loop3A_688 : i32 to index
          %parallel_loop3A_696 = arith.index_cast %parallel_loop3A_401 : i32 to index
          %parallel_loop3A_697 = tpu.vector_load %parallel_loop3A_693[%parallel_loop3A_694, %parallel_loop3A_695, %parallel_loop3A_696] {strides = array<i32>} : memref<1x32x512xf32, #tpu.memory_space<vmem>>, vector<16xf32>,
          tpu.vector_store %parallel_loop3A_693[%parallel_loop3A_694, %parallel_loop3A_695, %parallel_loop3A_696], %parallel_loop3A_686 {strides = array<i32>} : memref<1x32x512xf32, #tpu.memory_space<vmem>>, vector<16xf32>,
          %parallel_loop3A_698 = arith.constant 21 : i32
          %parallel_loop3A_699 = vector.broadcast %parallel_loop3A_698 : i32 to vector<16xi32>
          %parallel_loop3A_700 = tpu.vector_load_idx %arg5[%parallel_loop3A_403, %parallel_loop3A_699] : memref<512x32xf32, #tpu.memory_space<vmem>>[vector<16xi32>, vector<16xi32>], vector<16xf32>,
          %parallel_loop3A_701 = arith.constant 0 : i32
          %parallel_loop3A_702 = arith.constant 21 : i32
          %parallel_loop3A_703 = arith.constant 0 : i32
          %parallel_loop3A_704 = arith.constant 0 : i32
          %parallel_loop3A_705 = arith.constant 0 : i32
          %parallel_loop3A_706 = tpu.memref_slice %run_scoped3A_8[%rem3A_314, %parallel_loop3A_703, %parallel_loop3A_704, %parallel_loop3A_705] : memref<2x1x32x512xf32, #tpu.memory_space<vmem>> -> memref<1x1x32x512xf32, #tpu.memory_space<vmem>>
          %parallel_loop3A_707 = tpu.memref_squeeze %parallel_loop3A_706 : memref<1x1x32x512xf32, #tpu.memory_space<vmem>> -> memref<1x32x512xf32, #tpu.memory_space<vmem>>
          %parallel_loop3A_708 = arith.index_cast %parallel_loop3A_701 : i32 to index
          %parallel_loop3A_709 = arith.index_cast %parallel_loop3A_702 : i32 to index
          %parallel_loop3A_710 = arith.index_cast %parallel_loop3A_401 : i32 to index
          %parallel_loop3A_711 = tpu.vector_load %parallel_loop3A_707[%parallel_loop3A_708, %parallel_loop3A_709, %parallel_loop3A_710] {strides = array<i32>} : memref<1x32x512xf32, #tpu.memory_space<vmem>>, vector<16xf32>,
          tpu.vector_store %parallel_loop3A_707[%parallel_loop3A_708, %parallel_loop3A_709, %parallel_loop3A_710], %parallel_loop3A_700 {strides = array<i32>} : memref<1x32x512xf32, #tpu.memory_space<vmem>>, vector<16xf32>,
          %parallel_loop3A_712 = arith.constant 22 : i32
          %parallel_loop3A_713 = vector.broadcast %parallel_loop3A_712 : i32 to vector<16xi32>
          %parallel_loop3A_714 = tpu.vector_load_idx %arg5[%parallel_loop3A_403, %parallel_loop3A_713] : memref<512x32xf32, #tpu.memory_space<vmem>>[vector<16xi32>, vector<16xi32>], vector<16xf32>,
          %parallel_loop3A_715 = arith.constant 0 : i32
          %parallel_loop3A_716 = arith.constant 22 : i32
          %parallel_loop3A_717 = arith.constant 0 : i32
          %parallel_loop3A_718 = arith.constant 0 : i32
          %parallel_loop3A_719 = arith.constant 0 : i32
          %parallel_loop3A_720 = tpu.memref_slice %run_scoped3A_8[%rem3A_314, %parallel_loop3A_717, %parallel_loop3A_718, %parallel_loop3A_719] : memref<2x1x32x512xf32, #tpu.memory_space<vmem>> -> memref<1x1x32x512xf32, #tpu.memory_space<vmem>>
          %parallel_loop3A_721 = tpu.memref_squeeze %parallel_loop3A_720 : memref<1x1x32x512xf32, #tpu.memory_space<vmem>> -> memref<1x32x512xf32, #tpu.memory_space<vmem>>
          %parallel_loop3A_722 = arith.index_cast %parallel_loop3A_715 : i32 to index
          %parallel_loop3A_723 = arith.index_cast %parallel_loop3A_716 : i32 to index
          %parallel_loop3A_724 = arith.index_cast %parallel_loop3A_401 : i32 to index
          %parallel_loop3A_725 = tpu.vector_load %parallel_loop3A_721[%parallel_loop3A_722, %parallel_loop3A_723, %parallel_loop3A_724] {strides = array<i32>} : memref<1x32x512xf32, #tpu.memory_space<vmem>>, vector<16xf32>,
          tpu.vector_store %parallel_loop3A_721[%parallel_loop3A_722, %parallel_loop3A_723, %parallel_loop3A_724], %parallel_loop3A_714 {strides = array<i32>} : memref<1x32x512xf32, #tpu.memory_space<vmem>>, vector<16xf32>,
          %parallel_loop3A_726 = arith.constant 23 : i32
          %parallel_loop3A_727 = vector.broadcast %parallel_loop3A_726 : i32 to vector<16xi32>
          %parallel_loop3A_728 = tpu.vector_load_idx %arg5[%parallel_loop3A_403, %parallel_loop3A_727] : memref<512x32xf32, #tpu.memory_space<vmem>>[vector<16xi32>, vector<16xi32>], vector<16xf32>,
          %parallel_loop3A_729 = arith.constant 0 : i32
          %parallel_loop3A_730 = arith.constant 23 : i32
          %parallel_loop3A_731 = arith.constant 0 : i32
          %parallel_loop3A_732 = arith.constant 0 : i32
          %parallel_loop3A_733 = arith.constant 0 : i32
          %parallel_loop3A_734 = tpu.memref_slice %run_scoped3A_8[%rem3A_314, %parallel_loop3A_731, %parallel_loop3A_732, %parallel_loop3A_733] : memref<2x1x32x512xf32, #tpu.memory_space<vmem>> -> memref<1x1x32x512xf32, #tpu.memory_space<vmem>>
          %parallel_loop3A_735 = tpu.memref_squeeze %parallel_loop3A_734 : memref<1x1x32x512xf32, #tpu.memory_space<vmem>> -> memref<1x32x512xf32, #tpu.memory_space<vmem>>
          %parallel_loop3A_736 = arith.index_cast %parallel_loop3A_729 : i32 to index
          %parallel_loop3A_737 = arith.index_cast %parallel_loop3A_730 : i32 to index
          %parallel_loop3A_738 = arith.index_cast %parallel_loop3A_401 : i32 to index
          %parallel_loop3A_739 = tpu.vector_load %parallel_loop3A_735[%parallel_loop3A_736, %parallel_loop3A_737, %parallel_loop3A_738] {strides = array<i32>} : memref<1x32x512xf32, #tpu.memory_space<vmem>>, vector<16xf32>,
          tpu.vector_store %parallel_loop3A_735[%parallel_loop3A_736, %parallel_loop3A_737, %parallel_loop3A_738], %parallel_loop3A_728 {strides = array<i32>} : memref<1x32x512xf32, #tpu.memory_space<vmem>>, vector<16xf32>,
          %parallel_loop3A_740 = arith.constant 24 : i32
          %parallel_loop3A_741 = vector.broadcast %parallel_loop3A_740 : i32 to vector<16xi32>
          %parallel_loop3A_742 = tpu.vector_load_idx %arg5[%parallel_loop3A_403, %parallel_loop3A_741] : memref<512x32xf32, #tpu.memory_space<vmem>>[vector<16xi32>, vector<16xi32>], vector<16xf32>,
          %parallel_loop3A_743 = arith.constant 0 : i32
          %parallel_loop3A_744 = arith.constant 24 : i32
          %parallel_loop3A_745 = arith.constant 0 : i32
          %parallel_loop3A_746 = arith.constant 0 : i32
          %parallel_loop3A_747 = arith.constant 0 : i32
          %parallel_loop3A_748 = tpu.memref_slice %run_scoped3A_8[%rem3A_314, %parallel_loop3A_745, %parallel_loop3A_746, %parallel_loop3A_747] : memref<2x1x32x512xf32, #tpu.memory_space<vmem>> -> memref<1x1x32x512xf32, #tpu.memory_space<vmem>>
          %parallel_loop3A_749 = tpu.memref_squeeze %parallel_loop3A_748 : memref<1x1x32x512xf32, #tpu.memory_space<vmem>> -> memref<1x32x512xf32, #tpu.memory_space<vmem>>
          %parallel_loop3A_750 = arith.index_cast %parallel_loop3A_743 : i32 to index
          %parallel_loop3A_751 = arith.index_cast %parallel_loop3A_744 : i32 to index
          %parallel_loop3A_752 = arith.index_cast %parallel_loop3A_401 : i32 to index
          %parallel_loop3A_753 = tpu.vector_load %parallel_loop3A_749[%parallel_loop3A_750, %parallel_loop3A_751, %parallel_loop3A_752] {strides = array<i32>} : memref<1x32x512xf32, #tpu.memory_space<vmem>>, vector<16xf32>,
          tpu.vector_store %parallel_loop3A_749[%parallel_loop3A_750, %parallel_loop3A_751, %parallel_loop3A_752], %parallel_loop3A_742 {strides = array<i32>} : memref<1x32x512xf32, #tpu.memory_space<vmem>>, vector<16xf32>,
          %parallel_loop3A_754 = arith.constant 25 : i32
          %parallel_loop3A_755 = vector.broadcast %parallel_loop3A_754 : i32 to vector<16xi32>
          %parallel_loop3A_756 = tpu.vector_load_idx %arg5[%parallel_loop3A_403, %parallel_loop3A_755] : memref<512x32xf32, #tpu.memory_space<vmem>>[vector<16xi32>, vector<16xi32>], vector<16xf32>,
          %parallel_loop3A_757 = arith.constant 0 : i32
          %parallel_loop3A_758 = arith.constant 25 : i32
          %parallel_loop3A_759 = arith.constant 0 : i32
          %parallel_loop3A_760 = arith.constant 0 : i32
          %parallel_loop3A_761 = arith.constant 0 : i32
          %parallel_loop3A_762 = tpu.memref_slice %run_scoped3A_8[%rem3A_314, %parallel_loop3A_759, %parallel_loop3A_760, %parallel_loop3A_761] : memref<2x1x32x512xf32, #tpu.memory_space<vmem>> -> memref<1x1x32x512xf32, #tpu.memory_space<vmem>>
          %parallel_loop3A_763 = tpu.memref_squeeze %parallel_loop3A_762 : memref<1x1x32x512xf32, #tpu.memory_space<vmem>> -> memref<1x32x512xf32, #tpu.memory_space<vmem>>
          %parallel_loop3A_764 = arith.index_cast %parallel_loop3A_757 : i32 to index
          %parallel_loop3A_765 = arith.index_cast %parallel_loop3A_758 : i32 to index
          %parallel_loop3A_766 = arith.index_cast %parallel_loop3A_401 : i32 to index
          %parallel_loop3A_767 = tpu.vector_load %parallel_loop3A_763[%parallel_loop3A_764, %parallel_loop3A_765, %parallel_loop3A_766] {strides = array<i32>} : memref<1x32x512xf32, #tpu.memory_space<vmem>>, vector<16xf32>,
          tpu.vector_store %parallel_loop3A_763[%parallel_loop3A_764, %parallel_loop3A_765, %parallel_loop3A_766], %parallel_loop3A_756 {strides = array<i32>} : memref<1x32x512xf32, #tpu.memory_space<vmem>>, vector<16xf32>,
          %parallel_loop3A_768 = arith.constant 26 : i32
          %parallel_loop3A_769 = vector.broadcast %parallel_loop3A_768 : i32 to vector<16xi32>
          %parallel_loop3A_770 = tpu.vector_load_idx %arg5[%parallel_loop3A_403, %parallel_loop3A_769] : memref<512x32xf32, #tpu.memory_space<vmem>>[vector<16xi32>, vector<16xi32>], vector<16xf32>,
          %parallel_loop3A_771 = arith.constant 0 : i32
          %parallel_loop3A_772 = arith.constant 26 : i32
          %parallel_loop3A_773 = arith.constant 0 : i32
          %parallel_loop3A_774 = arith.constant 0 : i32
          %parallel_loop3A_775 = arith.constant 0 : i32
          %parallel_loop3A_776 = tpu.memref_slice %run_scoped3A_8[%rem3A_314, %parallel_loop3A_773, %parallel_loop3A_774, %parallel_loop3A_775] : memref<2x1x32x512xf32, #tpu.memory_space<vmem>> -> memref<1x1x32x512xf32, #tpu.memory_space<vmem>>
          %parallel_loop3A_777 = tpu.memref_squeeze %parallel_loop3A_776 : memref<1x1x32x512xf32, #tpu.memory_space<vmem>> -> memref<1x32x512xf32, #tpu.memory_space<vmem>>
          %parallel_loop3A_778 = arith.index_cast %parallel_loop3A_771 : i32 to index
          %parallel_loop3A_779 = arith.index_cast %parallel_loop3A_772 : i32 to index
          %parallel_loop3A_780 = arith.index_cast %parallel_loop3A_401 : i32 to index
          %parallel_loop3A_781 = tpu.vector_load %parallel_loop3A_777[%parallel_loop3A_778, %parallel_loop3A_779, %parallel_loop3A_780] {strides = array<i32>} : memref<1x32x512xf32, #tpu.memory_space<vmem>>, vector<16xf32>,
          tpu.vector_store %parallel_loop3A_777[%parallel_loop3A_778, %parallel_loop3A_779, %parallel_loop3A_780], %parallel_loop3A_770 {strides = array<i32>} : memref<1x32x512xf32, #tpu.memory_space<vmem>>, vector<16xf32>,
          %parallel_loop3A_782 = arith.constant 27 : i32
          %parallel_loop3A_783 = vector.broadcast %parallel_loop3A_782 : i32 to vector<16xi32>
          %parallel_loop3A_784 = tpu.vector_load_idx %arg5[%parallel_loop3A_403, %parallel_loop3A_783] : memref<512x32xf32, #tpu.memory_space<vmem>>[vector<16xi32>, vector<16xi32>], vector<16xf32>,
          %parallel_loop3A_785 = arith.constant 0 : i32
          %parallel_loop3A_786 = arith.constant 27 : i32
          %parallel_loop3A_787 = arith.constant 0 : i32
          %parallel_loop3A_788 = arith.constant 0 : i32
          %parallel_loop3A_789 = arith.constant 0 : i32
          %parallel_loop3A_790 = tpu.memref_slice %run_scoped3A_8[%rem3A_314, %parallel_loop3A_787, %parallel_loop3A_788, %parallel_loop3A_789] : memref<2x1x32x512xf32, #tpu.memory_space<vmem>> -> memref<1x1x32x512xf32, #tpu.memory_space<vmem>>
          %parallel_loop3A_791 = tpu.memref_squeeze %parallel_loop3A_790 : memref<1x1x32x512xf32, #tpu.memory_space<vmem>> -> memref<1x32x512xf32, #tpu.memory_space<vmem>>
          %parallel_loop3A_792 = arith.index_cast %parallel_loop3A_785 : i32 to index
          %parallel_loop3A_793 = arith.index_cast %parallel_loop3A_786 : i32 to index
          %parallel_loop3A_794 = arith.index_cast %parallel_loop3A_401 : i32 to index
          %parallel_loop3A_795 = tpu.vector_load %parallel_loop3A_791[%parallel_loop3A_792, %parallel_loop3A_793, %parallel_loop3A_794] {strides = array<i32>} : memref<1x32x512xf32, #tpu.memory_space<vmem>>, vector<16xf32>,
          tpu.vector_store %parallel_loop3A_791[%parallel_loop3A_792, %parallel_loop3A_793, %parallel_loop3A_794], %parallel_loop3A_784 {strides = array<i32>} : memref<1x32x512xf32, #tpu.memory_space<vmem>>, vector<16xf32>,
          %parallel_loop3A_796 = arith.constant 28 : i32
          %parallel_loop3A_797 = vector.broadcast %parallel_loop3A_796 : i32 to vector<16xi32>
          %parallel_loop3A_798 = tpu.vector_load_idx %arg5[%parallel_loop3A_403, %parallel_loop3A_797] : memref<512x32xf32, #tpu.memory_space<vmem>>[vector<16xi32>, vector<16xi32>], vector<16xf32>,
          %parallel_loop3A_799 = arith.constant 0 : i32
          %parallel_loop3A_800 = arith.constant 28 : i32
          %parallel_loop3A_801 = arith.constant 0 : i32
          %parallel_loop3A_802 = arith.constant 0 : i32
          %parallel_loop3A_803 = arith.constant 0 : i32
          %parallel_loop3A_804 = tpu.memref_slice %run_scoped3A_8[%rem3A_314, %parallel_loop3A_801, %parallel_loop3A_802, %parallel_loop3A_803] : memref<2x1x32x512xf32, #tpu.memory_space<vmem>> -> memref<1x1x32x512xf32, #tpu.memory_space<vmem>>
          %parallel_loop3A_805 = tpu.memref_squeeze %parallel_loop3A_804 : memref<1x1x32x512xf32, #tpu.memory_space<vmem>> -> memref<1x32x512xf32, #tpu.memory_space<vmem>>
          %parallel_loop3A_806 = arith.index_cast %parallel_loop3A_799 : i32 to index
          %parallel_loop3A_807 = arith.index_cast %parallel_loop3A_800 : i32 to index
          %parallel_loop3A_808 = arith.index_cast %parallel_loop3A_401 : i32 to index
          %parallel_loop3A_809 = tpu.vector_load %parallel_loop3A_805[%parallel_loop3A_806, %parallel_loop3A_807, %parallel_loop3A_808] {strides = array<i32>} : memref<1x32x512xf32, #tpu.memory_space<vmem>>, vector<16xf32>,
          tpu.vector_store %parallel_loop3A_805[%parallel_loop3A_806, %parallel_loop3A_807, %parallel_loop3A_808], %parallel_loop3A_798 {strides = array<i32>} : memref<1x32x512xf32, #tpu.memory_space<vmem>>, vector<16xf32>,
          %parallel_loop3A_810 = arith.constant 29 : i32
          %parallel_loop3A_811 = vector.broadcast %parallel_loop3A_810 : i32 to vector<16xi32>
          %parallel_loop3A_812 = tpu.vector_load_idx %arg5[%parallel_loop3A_403, %parallel_loop3A_811] : memref<512x32xf32, #tpu.memory_space<vmem>>[vector<16xi32>, vector<16xi32>], vector<16xf32>,
          %parallel_loop3A_813 = arith.constant 0 : i32
          %parallel_loop3A_814 = arith.constant 29 : i32
          %parallel_loop3A_815 = arith.constant 0 : i32
          %parallel_loop3A_816 = arith.constant 0 : i32
          %parallel_loop3A_817 = arith.constant 0 : i32
          %parallel_loop3A_818 = tpu.memref_slice %run_scoped3A_8[%rem3A_314, %parallel_loop3A_815, %parallel_loop3A_816, %parallel_loop3A_817] : memref<2x1x32x512xf32, #tpu.memory_space<vmem>> -> memref<1x1x32x512xf32, #tpu.memory_space<vmem>>
          %parallel_loop3A_819 = tpu.memref_squeeze %parallel_loop3A_818 : memref<1x1x32x512xf32, #tpu.memory_space<vmem>> -> memref<1x32x512xf32, #tpu.memory_space<vmem>>
          %parallel_loop3A_820 = arith.index_cast %parallel_loop3A_813 : i32 to index
          %parallel_loop3A_821 = arith.index_cast %parallel_loop3A_814 : i32 to index
          %parallel_loop3A_822 = arith.index_cast %parallel_loop3A_401 : i32 to index
          %parallel_loop3A_823 = tpu.vector_load %parallel_loop3A_819[%parallel_loop3A_820, %parallel_loop3A_821, %parallel_loop3A_822] {strides = array<i32>} : memref<1x32x512xf32, #tpu.memory_space<vmem>>, vector<16xf32>,
          tpu.vector_store %parallel_loop3A_819[%parallel_loop3A_820, %parallel_loop3A_821, %parallel_loop3A_822], %parallel_loop3A_812 {strides = array<i32>} : memref<1x32x512xf32, #tpu.memory_space<vmem>>, vector<16xf32>,
          %parallel_loop3A_824 = arith.constant 30 : i32
          %parallel_loop3A_825 = vector.broadcast %parallel_loop3A_824 : i32 to vector<16xi32>
          %parallel_loop3A_826 = tpu.vector_load_idx %arg5[%parallel_loop3A_403, %parallel_loop3A_825] : memref<512x32xf32, #tpu.memory_space<vmem>>[vector<16xi32>, vector<16xi32>], vector<16xf32>,
          %parallel_loop3A_827 = arith.constant 0 : i32
          %parallel_loop3A_828 = arith.constant 30 : i32
          %parallel_loop3A_829 = arith.constant 0 : i32
          %parallel_loop3A_830 = arith.constant 0 : i32
          %parallel_loop3A_831 = arith.constant 0 : i32
          %parallel_loop3A_832 = tpu.memref_slice %run_scoped3A_8[%rem3A_314, %parallel_loop3A_829, %parallel_loop3A_830, %parallel_loop3A_831] : memref<2x1x32x512xf32, #tpu.memory_space<vmem>> -> memref<1x1x32x512xf32, #tpu.memory_space<vmem>>
          %parallel_loop3A_833 = tpu.memref_squeeze %parallel_loop3A_832 : memref<1x1x32x512xf32, #tpu.memory_space<vmem>> -> memref<1x32x512xf32, #tpu.memory_space<vmem>>
          %parallel_loop3A_834 = arith.index_cast %parallel_loop3A_827 : i32 to index
          %parallel_loop3A_835 = arith.index_cast %parallel_loop3A_828 : i32 to index
          %parallel_loop3A_836 = arith.index_cast %parallel_loop3A_401 : i32 to index
          %parallel_loop3A_837 = tpu.vector_load %parallel_loop3A_833[%parallel_loop3A_834, %parallel_loop3A_835, %parallel_loop3A_836] {strides = array<i32>} : memref<1x32x512xf32, #tpu.memory_space<vmem>>, vector<16xf32>,
          tpu.vector_store %parallel_loop3A_833[%parallel_loop3A_834, %parallel_loop3A_835, %parallel_loop3A_836], %parallel_loop3A_826 {strides = array<i32>} : memref<1x32x512xf32, #tpu.memory_space<vmem>>, vector<16xf32>,
          %parallel_loop3A_838 = arith.constant 31 : i32
          %parallel_loop3A_839 = vector.broadcast %parallel_loop3A_838 : i32 to vector<16xi32>
          %parallel_loop3A_840 = tpu.vector_load_idx %arg5[%parallel_loop3A_403, %parallel_loop3A_839] : memref<512x32xf32, #tpu.memory_space<vmem>>[vector<16xi32>, vector<16xi32>], vector<16xf32>,
          %parallel_loop3A_841 = arith.constant 0 : i32
          %parallel_loop3A_842 = arith.constant 31 : i32
          %parallel_loop3A_843 = arith.constant 0 : i32
          %parallel_loop3A_844 = arith.constant 0 : i32
          %parallel_loop3A_845 = arith.constant 0 : i32
          %parallel_loop3A_846 = tpu.memref_slice %run_scoped3A_8[%rem3A_314, %parallel_loop3A_843, %parallel_loop3A_844, %parallel_loop3A_845] : memref<2x1x32x512xf32, #tpu.memory_space<vmem>> -> memref<1x1x32x512xf32, #tpu.memory_space<vmem>>
          %parallel_loop3A_847 = tpu.memref_squeeze %parallel_loop3A_846 : memref<1x1x32x512xf32, #tpu.memory_space<vmem>> -> memref<1x32x512xf32, #tpu.memory_space<vmem>>
          %parallel_loop3A_848 = arith.index_cast %parallel_loop3A_841 : i32 to index
          %parallel_loop3A_849 = arith.index_cast %parallel_loop3A_842 : i32 to index
          %parallel_loop3A_850 = arith.index_cast %parallel_loop3A_401 : i32 to index
          %parallel_loop3A_851 = tpu.vector_load %parallel_loop3A_847[%parallel_loop3A_848, %parallel_loop3A_849, %parallel_loop3A_850] {strides = array<i32>} : memref<1x32x512xf32, #tpu.memory_space<vmem>>, vector<16xf32>,
          tpu.vector_store %parallel_loop3A_847[%parallel_loop3A_848, %parallel_loop3A_849, %parallel_loop3A_850], %parallel_loop3A_840 {strides = array<i32>} : memref<1x32x512xf32, #tpu.memory_space<vmem>>, vector<16xf32>,
        } {sc.loop_unroll_factor = 1 : i64, sc.parallel_access}
        "tpu.trace_stop"() : () -> ()
        %ne3A_318 = arith.cmpi ne, %add3A_208, %add3A_246 : i32
        %ne3A_319 = arith.cmpi ne, %add3A_210, %add3A_248 : i32
        %or3A_320 = arith.constant false
        %or3A_321 = arith.ori %or3A_320, %ne3A_318 : i1
        %or3A_322 = arith.ori %or3A_321, %ne3A_319 : i1
        %or3A_323 = arith.ori %or3A_322, %eq3A_206 : i1
        %convert_element_type3A_324 = arith.extui %or3A_323 : i1 to i32
        %cond3A_325 = arith.constant 0 : i32
        %cond3A_326 = arith.cmpi ne, %convert_element_type3A_324, %cond3A_325 : i32
        scf.if %cond3A_326 {
        } else {
        }
        %and3A_327 = arith.constant false
        %and3A_328 = arith.andi %or3A_323, %and3A_327 : i1
        %ne3A_329 = arith.cmpi ne, %add3A_208, %add3A_246 : i32
        %ne3A_330 = arith.cmpi ne, %add3A_210, %add3A_248 : i32
        %or3A_331 = arith.constant false
        %or3A_332 = arith.ori %or3A_331, %ne3A_329 : i1
        %or3A_333 = arith.constant false
        %or3A_334 = arith.ori %or3A_332, %or3A_333 : i1
        %or3A_335 = arith.ori %or3A_334, %ne3A_330 : i1
        %or3A_336 = arith.ori %or3A_335, %eq3A_206 : i1
        %convert_element_type3A_337 = arith.extui %or3A_336 : i1 to i32
        %cond3A_338 = arith.constant 0 : i32
        %cond3A_339 = arith.cmpi ne, %convert_element_type3A_337, %cond3A_338 : i32
        scf.if %cond3A_339 {
          "tpu.trace_start"() <{level = 10 : i32, message = "ep_copy_out"}> : () -> ()
          %rem3A_401 = arith.constant 2 : i32
          %rem3A_402 = arith.remui %scan3A_199, %rem3A_401 : i32
          %mul3A_403 = arith.constant 1 : i32
          %mul3A_404 = arith.muli %mul3A_403, %add3A_208 : i32
          %mul3A_405 = arith.constant 512 : i32
          %mul3A_406 = arith.muli %mul3A_405, %add3A_210 : i32
          %dma_start3A_407 = arith.constant 0 : i32
          %dma_start3A_408 = arith.constant 0 : i32
          %dma_start3A_409 = arith.constant 0 : i32
          %dma_start3A_410 = tpu.memref_slice %run_scoped3A_8[%rem3A_402, %dma_start3A_407, %dma_start3A_408, %dma_start3A_409] : memref<2x1x32x512xf32, #tpu.memory_space<vmem>> -> memref<1x1x32x512xf32, #tpu.memory_space<vmem>>
          %dma_start3A_411 = tpu.memref_squeeze %dma_start3A_410 : memref<1x1x32x512xf32, #tpu.memory_space<vmem>> -> memref<1x32x512xf32, #tpu.memory_space<vmem>>
          %dma_start3A_412 = arith.constant 0 : i32
          %dma_start3A_413 = tpu.memref_slice %arg4[%mul3A_404, %dma_start3A_412, %mul3A_406] : memref<50x32x16384xf32, #tpu.memory_space<hbm>> -> memref<1x32x512xf32, #tpu.memory_space<hbm>>
          %dma_start3A_414 = tpu.memref_slice %run_scoped3A_9[%rem3A_402] : memref<2x!tpu.dma_semaphore, #tpu.memory_space<semaphore_mem>> -> memref<1x!tpu.dma_semaphore, #tpu.memory_space<semaphore_mem>>
          %dma_start3A_415 = tpu.memref_squeeze %dma_start3A_414 : memref<1x!tpu.dma_semaphore, #tpu.memory_space<semaphore_mem>> -> memref<!tpu.dma_semaphore, #tpu.memory_space<semaphore_mem>>
          %dma_start3A_416 = arith.constant 0 : i32
          %dma_start3A_417 = tpu.memref_slice %arg4[%mul3A_404, %dma_start3A_416, %mul3A_406] : memref<50x32x16384xf32, #tpu.memory_space<hbm>> -> memref<1x32x512xf32, #tpu.memory_space<hbm>>
          %dma_start3A_418 = arith.constant 0 : i32
          %dma_start3A_419 = arith.constant 0 : i32
          %dma_start3A_420 = arith.constant 0 : i32
          %dma_start3A_421 = tpu.memref_slice %run_scoped3A_8[%rem3A_402, %dma_start3A_418, %dma_start3A_419, %dma_start3A_420] : memref<2x1x32x512xf32, #tpu.memory_space<vmem>> -> memref<1x1x32x512xf32, #tpu.memory_space<vmem>>
          %dma_start3A_422 = tpu.memref_squeeze %dma_start3A_421 : memref<1x1x32x512xf32, #tpu.memory_space<vmem>> -> memref<1x32x512xf32, #tpu.memory_space<vmem>>
          tpu.enqueue_dma source(%dma_start3A_422 : memref<1x32x512xf32, #tpu.memory_space<vmem>>) target(%dma_start3A_417 : memref<1x32x512xf32, #tpu.memory_space<hbm>>) target_semaphore(%dma_start3A_415 : memref<!tpu.dma_semaphore, #tpu.memory_space<semaphore_mem>>)
          "tpu.trace_stop"() : () -> ()
        } else {
        }
        %and3A_340 = arith.constant true
        %and3A_341 = arith.andi %or3A_336, %and3A_340 : i1
        %add3A_342 = arith.constant 1 : i32
        %add3A_343 = arith.addi %scan3A_199, %add3A_342 : i32
        %select_n3A_344 = arith.select %and3A_341, %add3A_343, %scan3A_199 : i32
        %ne3A_345 = arith.cmpi ne, %add3A_208, %add3A_227 : i32
        %ne3A_346 = arith.cmpi ne, %add3A_210, %add3A_229 : i32
        %or3A_347 = arith.constant false
        %or3A_348 = arith.ori %or3A_347, %ne3A_345 : i1
        %or3A_349 = arith.ori %or3A_348, %ne3A_346 : i1
        %not3A_350 = arith.constant true
        %not3A_351 = arith.xori %eq3A_204, %not3A_350 : i1
        %and3A_352 = arith.andi %or3A_349, %not3A_351 : i1
        %convert_element_type3A_353 = arith.extui %and3A_352 : i1 to i32
        %cond3A_354 = arith.constant 0 : i32
        %cond3A_355 = arith.cmpi ne, %convert_element_type3A_353, %cond3A_354 : i32
        scf.if %cond3A_355 {
        } else {
        }
        %and3A_356 = arith.constant false
        %and3A_357 = arith.andi %and3A_352, %and3A_356 : i1
        %ne3A_358 = arith.cmpi ne, %add3A_208, %add3A_227 : i32
        %ne3A_359 = arith.cmpi ne, %add3A_210, %add3A_229 : i32
        %or3A_360 = arith.constant false
        %or3A_361 = arith.ori %or3A_360, %ne3A_358 : i1
        %or3A_362 = arith.constant false
        %or3A_363 = arith.ori %or3A_361, %or3A_362 : i1
        %or3A_364 = arith.ori %or3A_363, %ne3A_359 : i1
        %not3A_365 = arith.constant true
        %not3A_366 = arith.xori %eq3A_204, %not3A_365 : i1
        %and3A_367 = arith.andi %or3A_364, %not3A_366 : i1
        %convert_element_type3A_368 = arith.extui %and3A_367 : i1 to i32
        %cond3A_369 = arith.constant 0 : i32
        %cond3A_370 = arith.cmpi ne, %convert_element_type3A_368, %cond3A_369 : i32
        scf.if %cond3A_370 {
          "tpu.trace_start"() <{level = 10 : i32, message = "ep_wait_out"}> : () -> ()
          %rem3A_401 = arith.constant 2 : i32
          %rem3A_402 = arith.remui %scan3A_200, %rem3A_401 : i32
          %mul3A_403 = arith.constant 1 : i32
          %mul3A_404 = arith.muli %mul3A_403, %add3A_227 : i32
          %mul3A_405 = arith.constant 512 : i32
          %mul3A_406 = arith.muli %mul3A_405, %add3A_229 : i32
          %dma_wait3A_407 = arith.constant 0 : i32
          %dma_wait3A_408 = arith.constant 0 : i32
          %dma_wait3A_409 = arith.constant 0 : i32
          %dma_wait3A_410 = tpu.memref_slice %run_scoped3A_8[%rem3A_402, %dma_wait3A_407, %dma_wait3A_408, %dma_wait3A_409] : memref<2x1x32x512xf32, #tpu.memory_space<vmem>> -> memref<1x1x32x512xf32, #tpu.memory_space<vmem>>
          %dma_wait3A_411 = tpu.memref_squeeze %dma_wait3A_410 : memref<1x1x32x512xf32, #tpu.memory_space<vmem>> -> memref<1x32x512xf32, #tpu.memory_space<vmem>>
          %dma_wait3A_412 = arith.constant 0 : i32
          %dma_wait3A_413 = tpu.memref_slice %arg4[%mul3A_404, %dma_wait3A_412, %mul3A_406] : memref<50x32x16384xf32, #tpu.memory_space<hbm>> -> memref<1x32x512xf32, #tpu.memory_space<hbm>>
          %dma_wait3A_414 = tpu.memref_slice %run_scoped3A_9[%rem3A_402] : memref<2x!tpu.dma_semaphore, #tpu.memory_space<semaphore_mem>> -> memref<1x!tpu.dma_semaphore, #tpu.memory_space<semaphore_mem>>
          %dma_wait3A_415 = tpu.memref_squeeze %dma_wait3A_414 : memref<1x!tpu.dma_semaphore, #tpu.memory_space<semaphore_mem>> -> memref<!tpu.dma_semaphore, #tpu.memory_space<semaphore_mem>>
          %dma_wait3A_416 = arith.constant 0 : i32
          %dma_wait3A_417 = tpu.memref_slice %arg4[%mul3A_404, %dma_wait3A_416, %mul3A_406] : memref<50x32x16384xf32, #tpu.memory_space<hbm>> -> memref<1x32x512xf32, #tpu.memory_space<hbm>>
          %dma_wait3A_418 = arith.constant 0 : i32
          %dma_wait3A_419 = arith.constant 0 : i32
          %dma_wait3A_420 = arith.constant 0 : i32
          %dma_wait3A_421 = tpu.memref_slice %run_scoped3A_8[%rem3A_402, %dma_wait3A_418, %dma_wait3A_419, %dma_wait3A_420] : memref<2x1x32x512xf32, #tpu.memory_space<vmem>> -> memref<1x1x32x512xf32, #tpu.memory_space<vmem>>
          %dma_wait3A_422 = tpu.memref_squeeze %dma_wait3A_421 : memref<1x1x32x512xf32, #tpu.memory_space<vmem>> -> memref<1x32x512xf32, #tpu.memory_space<vmem>>
          tpu.wait_dma2 semaphore(%dma_wait3A_415 : memref<!tpu.dma_semaphore, #tpu.memory_space<semaphore_mem>>) src(%dma_wait3A_422 : memref<1x32x512xf32, #tpu.memory_space<vmem>>) dst(%dma_wait3A_417 : memref<1x32x512xf32, #tpu.memory_space<hbm>>)
          "tpu.trace_stop"() : () -> ()
        } else {
        }
        %and3A_371 = arith.constant true
        %and3A_372 = arith.andi %and3A_367, %and3A_371 : i1
        %add3A_373 = arith.constant 1 : i32
        %add3A_374 = arith.addi %scan3A_200, %add3A_373 : i32
        %select_n3A_375 = arith.select %and3A_372, %add3A_374, %scan3A_200 : i32
        %ne3A_376 = arith.cmpi ne, %add3A_208, %add3A_246 : i32
        %ne3A_377 = arith.cmpi ne, %add3A_210, %add3A_248 : i32
        %or3A_378 = arith.constant false
        %or3A_379 = arith.ori %or3A_378, %ne3A_376 : i1
        %or3A_380 = arith.ori %or3A_379, %ne3A_377 : i1
        %or3A_381 = arith.ori %or3A_380, %eq3A_206 : i1
        %add3A_382 = arith.constant 1 : i32
        %add3A_383 = arith.addi %scan3A_198, %add3A_382 : i32
        %select_n3A_384 = arith.select %or3A_381, %add3A_383, %scan3A_198 : i32
        %select_n3A_385 = arith.constant true
        %select_n3A_386 = arith.constant 0 : i32
        %select_n3A_387 = arith.constant 1 : i32
        %select_n3A_388 = arith.select %select_n3A_385, %select_n3A_387, %select_n3A_386 : i32
        %eq3A_389 = arith.constant 1 : i32
        %eq3A_390 = arith.cmpi eq, %select_n3A_388, %eq3A_389 : i32
        %select_n3A_391 = arith.constant 0 : i32
        %select_n3A_392 = arith.select %eq3A_390, %select_n3A_391, %select_n3A_388 : i32
        %add3A_393 = arith.constant 1 : i32
        %add3A_394 = arith.addi %scan3A_201, %add3A_393 : i32
        %select_n3A_395 = arith.select %eq3A_390, %add3A_394, %scan3A_201 : i32
        %eq3A_396 = arith.constant 50 : i32
        %eq3A_397 = arith.cmpi eq, %select_n3A_395, %eq3A_396 : i32
        %select_n3A_398 = arith.constant 0 : i32
        %select_n3A_399 = arith.select %eq3A_397, %select_n3A_398, %select_n3A_395 : i32
        %scan3A_400 = arith.constant 0 : i32
        scf.yield %select_n3A_278, %select_n3A_384, %select_n3A_344, %select_n3A_375, %select_n3A_399, %scan3A_400 : i32, i32, i32, i32, i32, i32
      }
      %scan3A_99 = arith.constant 50 : i32
      %sub3A = arith.constant 1 : i32
      %sub3A_100 = arith.subi %scan3A_98#5, %sub3A : i32
      %select_n3A_101 = arith.constant true
      %select_n3A_102 = arith.select %select_n3A_101, %sub3A_100, %scan3A_98#5 : i32
      %eq3A_103 = arith.constant -1 : i32
      %eq3A_104 = arith.cmpi eq, %select_n3A_102, %eq3A_103 : i32
      %select_n3A_105 = arith.constant 0 : i32
      %select_n3A_106 = arith.select %eq3A_104, %select_n3A_105, %select_n3A_102 : i32
      %sub3A_107 = arith.constant 1 : i32
      %sub3A_108 = arith.subi %scan3A_98#4, %sub3A_107 : i32
      %select_n3A_109 = arith.select %eq3A_104, %sub3A_108, %scan3A_98#4 : i32
      %eq3A_110 = arith.constant -1 : i32
      %eq3A_111 = arith.cmpi eq, %select_n3A_109, %eq3A_110 : i32
      %select_n3A_112 = arith.constant 49 : i32
      %select_n3A_113 = arith.select %eq3A_111, %select_n3A_112, %select_n3A_109 : i32
      %add3A_114 = arith.constant 0 : i32
      %add3A_115 = arith.addi %select_n3A_113, %add3A_114 : i32
      %add3A_116 = arith.constant 0 : i32
      %add3A_117 = arith.addi %add3A_116, %mul3A_6 : i32
      %select_n3A_118 = arith.constant true
      %select_n3A_119 = arith.constant 0 : i32
      %select_n3A_120 = arith.constant -1 : i32
      %select_n3A_121 = arith.select %select_n3A_118, %select_n3A_120, %select_n3A_119 : i32
      %eq3A_122 = arith.constant -1 : i32
      %eq3A_123 = arith.cmpi eq, %select_n3A_121, %eq3A_122 : i32
      %select_n3A_124 = arith.constant 0 : i32
      %select_n3A_125 = arith.select %eq3A_123, %select_n3A_124, %select_n3A_121 : i32
      %sub3A_126 = arith.constant 1 : i32
      %sub3A_127 = arith.subi %select_n3A_113, %sub3A_126 : i32
      %select_n3A_128 = arith.select %eq3A_123, %sub3A_127, %select_n3A_113 : i32
      %eq3A_129 = arith.constant -1 : i32
      %eq3A_130 = arith.cmpi eq, %select_n3A_128, %eq3A_129 : i32
      %select_n3A_131 = arith.constant 49 : i32
      %select_n3A_132 = arith.select %eq3A_130, %select_n3A_131, %select_n3A_128 : i32
      %add3A_133 = arith.constant 0 : i32
      %add3A_134 = arith.addi %select_n3A_132, %add3A_133 : i32
      %add3A_135 = arith.constant 0 : i32
      %add3A_136 = arith.addi %add3A_135, %mul3A_6 : i32
      %select_n3A_137 = arith.constant true
      %select_n3A_138 = arith.constant 0 : i32
      %select_n3A_139 = arith.constant 1 : i32
      %select_n3A_140 = arith.select %select_n3A_137, %select_n3A_139, %select_n3A_138 : i32
      %eq3A_141 = arith.constant 1 : i32
      %eq3A_142 = arith.cmpi eq, %select_n3A_140, %eq3A_141 : i32
      %select_n3A_143 = arith.constant 0 : i32
      %select_n3A_144 = arith.select %eq3A_142, %select_n3A_143, %select_n3A_140 : i32
      %add3A_145 = arith.constant 1 : i32
      %add3A_146 = arith.addi %select_n3A_113, %add3A_145 : i32
      %select_n3A_147 = arith.select %eq3A_142, %add3A_146, %select_n3A_113 : i32
      %eq3A_148 = arith.constant 50 : i32
      %eq3A_149 = arith.cmpi eq, %select_n3A_147, %eq3A_148 : i32
      %select_n3A_150 = arith.constant 0 : i32
      %select_n3A_151 = arith.select %eq3A_149, %select_n3A_150, %select_n3A_147 : i32
      %add3A_152 = arith.constant 0 : i32
      %add3A_153 = arith.addi %select_n3A_151, %add3A_152 : i32
      %add3A_154 = arith.constant 0 : i32
      %add3A_155 = arith.addi %add3A_154, %mul3A_6 : i32
      %select_n3A_156 = arith.constant true
      %select_n3A_157 = arith.constant 0 : i32
      %select_n3A_158 = arith.constant 1 : i32
      %select_n3A_159 = arith.select %select_n3A_156, %select_n3A_158, %select_n3A_157 : i32
      %eq3A_160 = arith.constant 1 : i32
      %eq3A_161 = arith.cmpi eq, %select_n3A_159, %eq3A_160 : i32
      %select_n3A_162 = arith.constant 0 : i32
      %select_n3A_163 = arith.select %eq3A_161, %select_n3A_162, %select_n3A_159 : i32
      %add3A_164 = arith.constant 1 : i32
      %add3A_165 = arith.addi %select_n3A_151, %add3A_164 : i32
      %select_n3A_166 = arith.select %eq3A_161, %add3A_165, %select_n3A_151 : i32
      %eq3A_167 = arith.constant 50 : i32
      %eq3A_168 = arith.cmpi eq, %select_n3A_166, %eq3A_167 : i32
      %select_n3A_169 = arith.constant 0 : i32
      %select_n3A_170 = arith.select %eq3A_168, %select_n3A_169, %select_n3A_166 : i32
      %add3A_171 = arith.constant 0 : i32
      %add3A_172 = arith.addi %select_n3A_170, %add3A_171 : i32
      %add3A_173 = arith.constant 0 : i32
      %add3A_174 = arith.addi %add3A_173, %mul3A_6 : i32
      "tpu.trace_start"() <{level = 10 : i32, message = "ep_finalize"}> : () -> ()
      %rem3A_175 = arith.constant 2 : i32
      %rem3A_176 = arith.remui %scan3A_98#3, %rem3A_175 : i32
      %mul3A_177 = arith.constant 1 : i32
      %mul3A_178 = arith.muli %mul3A_177, %add3A_115 : i32
      %mul3A_179 = arith.constant 512 : i32
      %mul3A_180 = arith.muli %mul3A_179, %add3A_117 : i32
      %dma_wait3A = arith.constant 0 : i32
      %dma_wait3A_181 = arith.constant 0 : i32
      %dma_wait3A_182 = arith.constant 0 : i32
      %dma_wait3A_183 = tpu.memref_slice %run_scoped3A_8[%rem3A_176, %dma_wait3A, %dma_wait3A_181, %dma_wait3A_182] : memref<2x1x32x512xf32, #tpu.memory_space<vmem>> -> memref<1x1x32x512xf32, #tpu.memory_space<vmem>>
      %dma_wait3A_184 = tpu.memref_squeeze %dma_wait3A_183 : memref<1x1x32x512xf32, #tpu.memory_space<vmem>> -> memref<1x32x512xf32, #tpu.memory_space<vmem>>
      %dma_wait3A_185 = arith.constant 0 : i32
      %dma_wait3A_186 = tpu.memref_slice %arg4[%mul3A_178, %dma_wait3A_185, %mul3A_180] : memref<50x32x16384xf32, #tpu.memory_space<hbm>> -> memref<1x32x512xf32, #tpu.memory_space<hbm>>
      %dma_wait3A_187 = tpu.memref_slice %run_scoped3A_9[%rem3A_176] : memref<2x!tpu.dma_semaphore, #tpu.memory_space<semaphore_mem>> -> memref<1x!tpu.dma_semaphore, #tpu.memory_space<semaphore_mem>>
      %dma_wait3A_188 = tpu.memref_squeeze %dma_wait3A_187 : memref<1x!tpu.dma_semaphore, #tpu.memory_space<semaphore_mem>> -> memref<!tpu.dma_semaphore, #tpu.memory_space<semaphore_mem>>
      %dma_wait3A_189 = arith.constant 0 : i32
      %dma_wait3A_190 = tpu.memref_slice %arg4[%mul3A_178, %dma_wait3A_189, %mul3A_180] : memref<50x32x16384xf32, #tpu.memory_space<hbm>> -> memref<1x32x512xf32, #tpu.memory_space<hbm>>
      %dma_wait3A_191 = arith.constant 0 : i32
      %dma_wait3A_192 = arith.constant 0 : i32
      %dma_wait3A_193 = arith.constant 0 : i32
      %dma_wait3A_194 = tpu.memref_slice %run_scoped3A_8[%rem3A_176, %dma_wait3A_191, %dma_wait3A_192, %dma_wait3A_193] : memref<2x1x32x512xf32, #tpu.memory_space<vmem>> -> memref<1x1x32x512xf32, #tpu.memory_space<vmem>>
      %dma_wait3A_195 = tpu.memref_squeeze %dma_wait3A_194 : memref<1x1x32x512xf32, #tpu.memory_space<vmem>> -> memref<1x32x512xf32, #tpu.memory_space<vmem>>
      tpu.wait_dma2 semaphore(%dma_wait3A_188 : memref<!tpu.dma_semaphore, #tpu.memory_space<semaphore_mem>>) src(%dma_wait3A_195 : memref<1x32x512xf32, #tpu.memory_space<vmem>>) dst(%dma_wait3A_190 : memref<1x32x512xf32, #tpu.memory_space<hbm>>)
      "tpu.trace_stop"() : () -> ()
      tpu.yield
    }) : () -> ()
    return
  }
}

</mosaic_0001>

<sc_bundles>
// kernel: kernel.3.cloned.1.call-start
scs
__scs_entry_jumppad:
0x0: {  	(pc) =	sbr.rel $0x88, $3  }
0x1: {  	(tag) =	ssettag $0x0;
	lr =	simm.s32 $0x1  }
0x2: {  	[smem:$0x3F9F] =	sst lr;
	_ =	strace $0xD0000000  }
0x3: {  	_ = 	snop  }
0x4: {  	_ = 	snop  }
0x5: {  	_ = 	snop  }
0x6: {  	_ = 	snop  }
0x7: {  	_ = 	snop  }
__scs_overlays_trampoline_lowered:
0x8: {  	[smem:$0x3FAE] =	sst s0  }
0x9: {  	[smem:$0x3FAF] =	sst s1  }
0xa: {  	[smem:$0x3FB0] =	sst s2  }
0xb: {  	[smem:$0x3FB1] =	sst s3  }
0xc: {  	[smem:$0x3FB2] =	sst s4  }
0xd: {  	[smem:$0x3FB3] =	sst s5  }
0xe: {  	[smem:$0x3FB4] =	sst s6  }
0xf: {  	[smem:$0x3FB5] =	sst s7  }
0x10: {  	[smem:$0x3FB6] =	sst s8  }
0x11: {  	[smem:$0x3FB7] =	sst s9;
	s0 =	simm.s32 @!p0 $0x0  }
0x12: {  	s1 =	sld [smem:$0x3F9D];
	s0 =	simm.s32 @p0 $0x1  }
0x13: {  	[smem:$0x3FB8] =	sst s0;
	s0 =	simm.s32 @!p1 $0x0  }
0x14: {  	s2 =	sld [smem:$0x3F9C];
	s0 =	simm.s32 @p1 $0x1  }
0x15: {  	[smem:$0x3FB9] =	sst s0;
	s0 =	simm.s32 @!p2 $0x0  }
0x16: {  	s3 =	sld [smem:$0x3FDB];
	s0 =	simm.s32 @p2 $0x1  }
0x17: {  	s4 =	simm.s32 $0x1BF5;
	[smem:$0x3FBB] =	sst s0  }
0x18: {  	s0 =	sld [smem:$0x3F9E];
	_ =	swait.ge [sflag:s4], $0x0  }
0x19: {  	s7 =	sld [smem:$0x3F9F]  }
0x1a: {  	s8 =	sadd.s32 $0xFFFFE003, lr  }
0x1b: {  	s9 =	sadd.s32 $0xFFFFFEF7, lr;
	s5 =	simm.s32 $0xFFFFFFFF;
	p2 =	slt.u32 s8, $0xFFFFF086  }
0x1c: {  	p1 =	slt.u32 s9, $0xF7A;
	s5 =	simm.s32 @!p2 $0x0  }
0x1d: {  	s5 =	simm.s32 @p1 $0x1;
	p0 =	seq.s32 s7, s2  }
0x1e: {  	s7 =	smul.u32 @!p0 $0xF7A, s2;
	p2 =	seq.s32 @!p0 s5, $0x0  }
0x1f: {  	s9 =	smul.u32 $0xF7A, s1;
	s8 =	simm.s32 @!p0 $0x1BF5;
	p2 =	por !p2, p0  }
0x20: {  	[sflag:s8] =	ssyncset.s32 @!p0 $0xFFFFF086;
	s6 =	sadd.s32 @!p0 s3, s7;
	s7 =	simm.s32 @!p0 $0x108  }
0x21: {  	s3 =	sadd.s32 s3, s9;
	s6 =	sadd.s32 @!p0 $0x88, s6;
	s7 =	simm.s32 @p2 $0x1082  }
0x22: {  	[simem:s7], [sflag:s8] =	dma.local @!p0 [hbm:s6], $0xF7A  }
0x23: {  	s9 =	sor.u32 $0xD0000000, s2;
	s6 =	simm.s32 $0x108;
	_ =	swait.ge @!p0 [sflag:s8], $0x0  }
0x24: {  	s3 =	sadd.s32 $0x88, s3;
	s6 =	simm.s32 @!p1 $0x1082;
	[sflag:s4] =	ssyncset.s32 $0xFFFFF086  }
0x25: {  	[simem:s6], [sflag:s4] =	dma.local [hbm:s3], $0xF7A  }
0x26: {  	[smem:$0x3F9F] =	sst s1;
	(tag) =	ssettag s2;
	_ =	strace s9  }
0x27: {  	s1 =	sld [smem:$0x3FAF]  }
0x28: {  	s2 =	sld [smem:$0x3FB0]  }
0x29: {  	s4 =	sld [smem:$0x3FB2]  }
0x2a: {  	p0 =	seq.s32 s5, $0x0;
	s5 =	sld [smem:$0x3FB3]  }
0x2b: {  	s6 =	sld [smem:$0x3FB4]  }
0x2c: {  	s7 =	sld [smem:$0x3FB5]  }
0x2d: {  	s3 =	simm.s32 $0x108;
	s8 =	sld [smem:$0x3FB6]  }
0x2e: {  	s3 =	simm.s32 @!p0 $0x1082;
	s9 =	sld [smem:$0x3FB7]  }
0x2f: {  	lr =	sadd.s32 s0, s3;
	s0 =	sld [smem:$0x3FAE]  }
0x30: {  	s3 =	sld [smem:$0x3FB1]  }
0x31: {  	[smem:$0x3FBA] =	sst s10  }
0x32: {  	s10 =	sld [smem:$0x3FB8];
	_ =	sdelay $0x3  }
0x33: {  	p0 =	seq.s32 s10, $0x1;
	s10 =	sld [smem:$0x3FBA];
	_ =	sdelay $0x3  }
0x34: {  	[smem:$0x3FBA] =	sst s10  }
0x35: {  	s10 =	sld [smem:$0x3FB9];
	_ =	sdelay $0x3  }
0x36: {  	p1 =	seq.s32 s10, $0x1;
	s10 =	sld [smem:$0x3FBA];
	_ =	sdelay $0x3  }
0x37: {  	[smem:$0x3FBA] =	sst s10  }
0x38: {  	s10 =	sld [smem:$0x3FBB]  }
0x39: {  	_ = 	snop;
	(pc) =	sbr.ind lr, $3  }
0x3a: {  	_ = 	snop  }
0x3b: {  	_ = 	snop  }
0x3c: {  	p2 =	seq.s32 s10, $0x1;
	s10 =	sld [smem:$0x3FBA]  }
0x3d: {  	_ =	shalt  }
0x3e: {  	_ =	shalt  }
0x3f: {  	_ =	shalt  }
0x40: {  	_ =	shalt  }
0x41: {  	_ =	shalt  }
0x42: {  	_ =	shalt  }
0x43: {  	_ =	shalt  }
0x44: {  	_ =	shalt  }
0x45: {  	_ =	shalt  }
0x46: {  	_ =	shalt  }
0x47: {  	_ =	shalt  }
0x48: {  	_ =	shalt  }
0x49: {  	_ =	shalt  }
0x4a: {  	_ =	shalt  }
0x4b: {  	_ =	shalt  }
0x4c: {  	_ =	shalt  }
0x4d: {  	_ =	shalt  }
0x4e: {  	_ =	shalt  }
0x4f: {  	_ =	shalt  }
0x50: {  	_ =	shalt  }
0x51: {  	_ =	shalt  }
0x52: {  	_ =	shalt  }
0x53: {  	_ =	shalt  }
0x54: {  	_ =	shalt  }
0x55: {  	_ =	shalt  }
0x56: {  	_ =	shalt  }
0x57: {  	_ =	shalt  }
0x58: {  	_ =	shalt  }
0x59: {  	_ =	shalt  }
0x5a: {  	_ =	shalt  }
0x5b: {  	_ =	shalt  }
0x5c: {  	_ =	shalt  }
0x5d: {  	_ =	shalt  }
0x5e: {  	_ =	shalt  }
0x5f: {  	_ =	shalt  }
0x60: {  	_ =	shalt  }
0x61: {  	_ =	shalt  }
0x62: {  	_ =	shalt  }
0x63: {  	_ =	shalt  }
0x64: {  	_ =	shalt  }
0x65: {  	_ =	shalt  }
0x66: {  	_ =	shalt  }
0x67: {  	_ =	shalt  }
0x68: {  	_ =	shalt  }
0x69: {  	_ =	shalt  }
0x6a: {  	_ =	shalt  }
0x6b: {  	_ =	shalt  }
0x6c: {  	_ =	shalt  }
0x6d: {  	_ =	shalt  }
0x6e: {  	_ =	shalt  }
0x6f: {  	_ =	shalt  }
0x70: {  	_ =	shalt  }
0x71: {  	_ =	shalt  }
0x72: {  	_ =	shalt  }
0x73: {  	_ =	shalt  }
0x74: {  	_ =	shalt  }
0x75: {  	_ =	shalt  }
0x76: {  	_ =	shalt  }
0x77: {  	_ =	shalt  }
0x78: {  	_ =	shalt  }
0x79: {  	_ =	shalt  }
0x7a: {  	_ =	shalt  }
0x7b: {  	_ =	shalt  }
0x7c: {  	_ =	shalt  }
0x7d: {  	_ =	shalt  }
0x7e: {  	_ =	shalt  }
0x7f: {  	_ =	shalt  }
0x80: {  	_ =	shalt  }
0x81: {  	_ =	shalt  }
0x82: {  	_ =	shalt  }
0x83: {  	_ =	shalt  }
0x84: {  	_ =	shalt  }
0x85: {  	_ =	shalt  }
0x86: {  	_ =	shalt  }
0x87: {  	_ =	shalt  }
.Lfunc_end0:
.L_simem_size_0:
called_computation_lowered:
.L_overlay_start_0:
0x88: {  	s2 =	sld [smem:$0x3FD9]  }
0x89: {  	s3 =	sld [smem:$0x3FFE];
	_ =	sdelay $0x1  }
0x8a: {  	s1 =	srdreg.scid  }
0x8b: {  	s0 =	sand.u32 $0x1, s1  }
0x8c: {  	s17 =	sshll.u32 s0, $0xA;
	s2 =	sadd.s32 s3, s2  }
0x8d: {  	s2 =	sadd.s32 s2, s17  }
0x8e: {  	[smem:$0x3FC6] =	sst s2  }
0x8f: {  	_ = 	snop  }
0x90: {  	s2 =	sld [smem:$0x3FD0];
	(tm) =	ssettm $0x1  }
0x91: {  	s18 =	sld [smem:$0x3FFB];
	_ =	sdelay $0x3  }
0x92: {  	_ =	strace s18  }
0x93: {  	s3 =	sld [smem:$0x3FFC];
	_ =	sdelay $0x3  }
0x94: {  	_ =	strace s3  }
0x95: {  	s3 =	sld [smem:$0x3FFD];
	_ =	sdelay $0x3  }
0x96: {  	_ =	strace s3  }
0x97: {  	_ =	strace $0x8FFFFFFF  }
0x98: {  	s19 =	sld [smem:$0x3FDB];
	_ =	sdelay $0x1  }
0x99: {  	s4 =	simm.s32 $_scs_section_size  }
0x9a: {  	s5 =	simm.s32 $_size__tile_overlayer_lowered;
	s6 =	simm.s32 $_tile_overlayer_lowered  }
0x9b: {  	s22 =	simm.s32 $0x1BFF;
	s21 =	sshll.u32 s6, $0x1;
	s3 =	sadd.s32 s4, s19  }
0x9c: {  	s7 =	simm.s32 $0x0;
	s20 =	sshll.u32 s5, $0x1;
	s5 =	sadd.s32 s21, s3  }
0x9d: {  	[timem:s7], [sflag:s22] =	dma.local [hbm:s5], s20  }
0x9e: {  	_ =	swait.ge [sflag:s22], s20  }
0x9f: {  	s4 =	ssub.s32 $0x0, s20;
	[sflag:s22] =	ssyncset.done $0x0  }
0xa0: {  	[sflag:s22] =	ssyncadd.s32 s4;
	_ =	sdelay $0x1  }
0xa1: {  	s23 =	simm.s32 $0x1B8B  }
0xa2: {  	_ =	swait.ge [sflag:s23], $0x1  }
0xa3: {  	[sflag:s23] =	ssyncset.done $0x0  }
0xa4: {  	s25 =	simm.s32 $0x1B8E;
	s24 =	sld [smem:$0x3FFE];
	[sflag:s23] =	ssyncadd.s32 $0xFFFFFFFF  }
0xa5: {  	s26 =	simm.s32 $execute0_lowered;
	[smem:$0x3FD2] =	sst s25  }
0xa6: {  	s5 =	sshll.u32 s26, $0x1;
	_ =	strace $0x80000046;
	[dreg:$0x1] =	wrdreg $0xFFFFFFFF  }
0xa7: {  	s28 =	simm.s32 $_size_execute0_lowered;
	s3 =	sadd.s32 s3, s5;
	[dreg:$0x0] =	wrdreg $0x0  }
0xa8: {  	s5 =	sshll.u32 s28, $0x1;
	[dreg:$0x2] =	wrdreg s3  }
0xa9: {  	[dreg:$0x3] =	wrdreg s5  }
0xaa: {  	[dreg:$0x4] =	wrdreg $0xC0  }
0xab: {  	_ =	task [dreg:s7], $0x5FFFF  }
0xac: {  	[dreg:$0x1] =	wrdreg $0xFFFFFFFF  }
0xad: {  	[dreg:$0x0] =	wrdreg $0x60  }
0xae: {  	[dreg:$0x2] =	wrdreg s24  }
0xaf: {  	[dreg:$0x3] =	wrdreg s2  }
0xb0: {  	[dreg:$0x4] =	wrdreg $0x9  }
0xb1: {  	_ =	task.clear_ibuf [dreg:s7], $0x5FFFF;
	_ =	strace $0x90000046  }
0xb2: {  	s29 =	simm.s32 $0x9;
	_ =	strace $0x8000004F  }
0xb3: {  	_ =	swait.ge [sflag:s29], $0x1  }
0xb4: {  	[sflag:s29] =	ssyncadd.s32 $0xFFFFFFFF  }
0xb5: {  	_ =	strace $0x9000004F  }
0xb6: {  	_ =	sfence  }
0xb7: {  	s30 =	sld [smem:$0x0];
	_ =	sdelay $0x2  }
0xb8: {  	s31 =	sshll.u32 s1, $0xD;
	s1 =	sshrl.u32 s1, $0x2  }
0xb9: {  	s3 =	sand.u32 $0x4000, s31;
	s1 =	sadd.s32 s1, s30  }
0xba: {  	s0 =	sor.u32 s3, s0;
	s1 =	sshll.u32 s1, $0x11  }
0xbb: {  	s0 =	sor.u32 s1, s0  }
0xbc: {  	s0 =	sadd.s32 $0x8F2B, s0  }
0xbd: {  	[sflag:s0] =	ssyncadd.remote.s32 $0x1  }
0xbe: {  	_ =	sfence.sel $0xFFFF  }
0xbf: {  	[dreg:$0x0] =	wrdreg $0xFFFFFFFF;
	(pc) =	sbr.abs _section_cstart, $3  }
0xc0: {  	[dreg:$0x1] =	wrdreg $0xFFFFFFFF  }
0xc1: {  	_ =	task.clear_ibuf [dreg:s7], $0x2FFFF;
	_ =	strace $0x9FFFFFFF  }
0xc2: {  	(tm) =	ssettm $0x7FFFFFFF  }
0xc3: {  	_ =	shalt  }
tec
execute0_lowered:
.L_overlay_start_1:
0x0: {  	(tag) =	ssettag $0x1  }
0x1: {  	s6 =	rddreg [dreg:$0x0]  }
0x2: {  	s2 =	rddreg [dreg:$0x1]  }
0x3: {  	s0 =	rddreg [dreg:$0x2];
	s4 =	srdreg.scid  }
0x4: {  	s3 =	simm.s32 $0x0;
	s1 =	stileid.u32;
	s10 =	simm.s32 $0x200  }
0x5: {  	s11 =	simm.s32 $0x5;
	s12 =	simm.s32 $0x4;
	s13 =	simm.s32 $0x0  }
0x6: {  	s4 =	sand.u32 $0x1, s4;
	[smem:$0x7FF] =	sst s3;
	s7 =	sshll.u32 s1, $0x9  }
0x7: {  	s5 =	sshll.u32 s4, $0xD;
	_ =	strace $0x80000047;
	s8 =	ssub.s32 $0x2, s4  }
0x8: {  	s4 =	sor.u32 s7, s5;
	s5 =	sadd.s32 $0xF42A00, s6;
	s31 =	sshrl.u32 s8, $0x1  }
0x9: {  	v0 =	vlaneseq.u32;
	s6 =	sadd.s32 $0x600, s6;
	s9 =	sshrl.u32 s4, $0x3;
	s8 =	ssub.s32 s8, s31  }
0xa: {  	v0 =	vmul.u32 $0x20, v0;
	s7 =	sadd.s32 s2, s9;
	s8 =	smax.u32 s8, $0x1;
	s9 =	simm.s32 $0x4000  }
.LBB2_1:
0xb: {  	_ =	strace $0x80000048;
	s20 =	simm.s32 $0x0  }
0xc: {  	s14 =	simm.s32 $0x0;
	s15 =	simm.s32 $0x0;
	s16 =	simm.s32 $0x0  }
0xd: {  	[tilespmem:s9], [sflag:$0x1] =	stream.linear.gather [hbm4b:s7+s3], $0x200, $0x200038;
	[tilespmem:$0xC400] =	vst v63  }
0xe: {  	s17 =	simm.s32 $0x1;
	s18 =	simm.s32 $0x0;
	_ =	strace $0x90000048  }
.LBB2_2:
0xf: {  	s19 =	sadd.s32 $0x1, s20  }
0x10: {  	p0 =	seq.s32 s19, $0x32  }
0x11: {  	s19 =	simm.s32 @p0 $0x0  }
0x12: {  	p6 =	sne.s32 s18, $0x31;
	p1 =	sne.s32 s20, s19  }
0x13: {  	p0 =	por !p6, !p1  }
0x14: {  	p0 =	por !p0, !p0  }
0x15: {  	s21 =	sshll.u32 @p0 s19, $0xE  }
0x16: {  	s22 =	sand.u32 @p0 $0x1, s17;
	_ =	strace @p0 $0x80000049;
	s21 =	sor.u32 @p0 s4, s21  }
0x17: {  	s24 =	simm.s32 @p0 $0x0;
	s23 =	sshll.u32 @p0 s22, $0x9;
	s21 =	sshrl.u32 @p0 s21, $0x3  }
0x18: {  	s22 =	sadd.s32 @p0 $0x1, s22;
	s23 =	sor.u32 @p0 $0x4000, s23;
	s21 =	sadd.s32 @p0 s2, s21  }
0x19: {  	[tilespmem:s23], [sflag:s22] =	stream.linear.gather @p0 [hbm4b:s21+s24], $0x200, $0x200038;
	[tilespmem:$0xC400] =	vst v63  }
0x1a: {  	s22 =	sand.u32 $0x1, s16;
	_ =	strace @p0 $0x90000049  }
0x1b: {  	s21 =	sadd.s32 $0x1, s22;
	_ =	strace $0x8000004A  }
0x1c: {  	_ =	swait.ge [sflag:s21], $0x200  }
0x1d: {  	s23 =	simm.s32 $0x0;
	[sflag:s21] =	ssyncset.done $0x0  }
0x1e: {  	s24 =	sshll.u32 s16, $0x9;
	v1 =	vmov s23;
	[sflag:s21] =	ssyncadd.s32 $0xFFFFFE00  }
0x1f: {  	v1 =	vshll.u32 v1, $0x5;
	s21 =	sand.u32 $0x200, s24;
	_ =	strace $0x9000004A  }
0x20: {  	v7 =	vor.u32 v0, v1;
	s21 =	sor.u32 $0x4000, s21;
	_ =	strace $0x8000004B  }
0x21: {  	[tilespmem:s3], [sflag:$0x5] =	stream.indirect.gather [hbm4b:s5+s10], $0x20, s21, s10, $0x2000b8;
	[tilespmem:$0xC400] =	vst v63  }
0x22: {  	_ =	swait.ge [sflag:s11], $0x4000  }
0x23: {  	[sflag:s11] =	ssyncset.done $0x0  }
0x24: {  	[sflag:s11] =	ssyncadd.s32 $0xFFFFC000  }
0x25: {  	v1 =	vld.idx.msk [tilespmem:v7+s3+$0x0], $0xffff  }
0x26: {  	v2 =	vor.u32 $0x1, v7  }
0x27: {  	s21 =	sand.u32 $0x1, s15  }
0x28: {  	s30 =	sshll.u32 s21, $0xE  }
0x29: {  	s24 =	sadd.s32 $0x6400, s30  }
0x2a: {  	[tilespmem:s24+$0xFFFFE000] =	vst v1  }
0x2b: {  	v1 =	vld.idx.msk [tilespmem:v2+s3+$0x0], $0xffff  }
0x2c: {  	v2 =	vor.u32 $0x2, v7;
	_ =	sdelay $0x3  }
0x2d: {  	[tilespmem:s24+$0xFFFFE200] =	vst v1  }
0x2e: {  	v1 =	vld.idx.msk [tilespmem:v2+s3+$0x0], $0xffff  }
0x2f: {  	v2 =	vor.u32 $0x3, v7;
	_ =	sdelay $0x3  }
0x30: {  	[tilespmem:s24+$0xFFFFE400] =	vst v1  }
0x31: {  	v2 =	vld.idx.msk [tilespmem:v2+s3+$0x0], $0xffff  }
0x32: {  	s25 =	simm.s32 $0x10;
	v3 =	vor.u32 $0x4, v7  }
0x33: {  	v1 =	vmov s25  }
0x34: {  	v1 =	vshll.u32 v1, $0x5  }
0x35: {  	v1 =	vor.u32 v0, v1  }
0x36: {  	[tilespmem:s24+$0xFFFFE600] =	vst v2  }
0x37: {  	v2 =	vld.idx.msk [tilespmem:v3+s3+$0x0], $0xffff  }
0x38: {  	v3 =	vor.u32 $0x5, v7;
	_ =	sdelay $0x1  }
0x39: {  	v4 =	vld.idx.msk [tilespmem:v1+s3+$0x0], $0xffff  }
0x3a: {  	v5 =	vor.u32 $0x1, v1  }
0x3b: {  	[tilespmem:s24+$0xFFFFE800] =	vst v2  }
0x3c: {  	v2 =	vld.idx.msk [tilespmem:v3+s3+$0x0], $0xffff  }
0x3d: {  	s22 =	sadd.s32 $0x10, s24;
	v3 =	vor.u32 $0x6, v7  }
0x3e: {  	[tilespmem:s22+$0xFFFFE000] =	vst v4  }
0x3f: {  	v4 =	vld.idx.msk [tilespmem:v5+s3+$0x0], $0xffff  }
0x40: {  	v5 =	vor.u32 $0x2, v1  }
0x41: {  	[tilespmem:s24+$0xFFFFEA00] =	vst v2  }
0x42: {  	v2 =	vld.idx.msk [tilespmem:v3+s3+$0x0], $0xffff  }
0x43: {  	v3 =	vor.u32 $0x7, v7  }
0x44: {  	[tilespmem:s22+$0xFFFFE200] =	vst v4  }
0x45: {  	v4 =	vld.idx.msk [tilespmem:v5+s3+$0x0], $0xffff  }
0x46: {  	v5 =	vor.u32 $0x3, v1  }
0x47: {  	[tilespmem:s24+$0xFFFFEC00] =	vst v2  }
0x48: {  	v2 =	vld.idx.msk [tilespmem:v3+s3+$0x0], $0xffff  }
0x49: {  	v3 =	vor.u32 $0x8, v7  }
0x4a: {  	[tilespmem:s22+$0xFFFFE400] =	vst v4  }
0x4b: {  	v4 =	vld.idx.msk [tilespmem:v5+s3+$0x0], $0xffff  }
0x4c: {  	v5 =	vor.u32 $0x4, v1  }
0x4d: {  	s26 =	simm.s32 $0x20;
	[tilespmem:s24+$0xFFFFEE00] =	vst v2  }
0x4e: {  	v2 =	vmov s26;
	v3 =	vld.idx.msk [tilespmem:v3+s3+$0x0], $0xffff  }
0x4f: {  	v6 =	vor.u32 $0x9, v7;
	v2 =	vshll.u32 v2, $0x5  }
0x50: {  	[tilespmem:s22+$0xFFFFE600] =	vst v4;
	v2 =	vor.u32 v0, v2  }
0x51: {  	v4 =	vld.idx.msk [tilespmem:v5+s3+$0x0], $0xffff  }
0x52: {  	v5 =	vor.u32 $0x5, v1  }
0x53: {  	[tilespmem:s24+$0xFFFFF000] =	vst v3  }
0x54: {  	v3 =	vld.idx.msk [tilespmem:v6+s3+$0x0], $0xffff  }
0x55: {  	v8 =	vor.u32 $0xA, v7;
	v6 =	vld.idx.msk [tilespmem:v2+s3+$0x0], $0xffff  }
0x56: {  	v9 =	vor.u32 $0x1, v2;
	[tilespmem:s22+$0xFFFFE800] =	vst v4  }
0x57: {  	v4 =	vld.idx.msk [tilespmem:v5+s3+$0x0], $0xffff  }
0x58: {  	v5 =	vor.u32 $0x6, v1  }
0x59: {  	s23 =	sadd.s32 $0x10, s22;
	[tilespmem:s24+$0xFFFFF200] =	vst v3  }
0x5a: {  	[tilespmem:s23+$0xFFFFE000] =	vst v6;
	v3 =	vld.idx.msk [tilespmem:v8+s3+$0x0], $0xffff  }
0x5b: {  	v6 =	vld.idx.msk [tilespmem:v9+s3+$0x0], $0xffff;
	v8 =	vor.u32 $0xB, v7  }
0x5c: {  	[tilespmem:s22+$0xFFFFEA00] =	vst v4;
	v9 =	vor.u32 $0x2, v2  }
0x5d: {  	v4 =	vld.idx.msk [tilespmem:v5+s3+$0x0], $0xffff  }
0x5e: {  	v5 =	vor.u32 $0x7, v1  }
0x5f: {  	[tilespmem:s24+$0xFFFFF400] =	vst v3  }
0x60: {  	[tilespmem:s23+$0xFFFFE200] =	vst v6;
	v3 =	vld.idx.msk [tilespmem:v8+s3+$0x0], $0xffff  }
0x61: {  	v6 =	vld.idx.msk [tilespmem:v9+s3+$0x0], $0xffff;
	v8 =	vor.u32 $0xC, v7  }
0x62: {  	[tilespmem:s22+$0xFFFFEC00] =	vst v4;
	v9 =	vor.u32 $0x3, v2  }
0x63: {  	v4 =	vld.idx.msk [tilespmem:v5+s3+$0x0], $0xffff  }
0x64: {  	v5 =	vor.u32 $0x8, v1  }
0x65: {  	[tilespmem:s24+$0xFFFFF600] =	vst v3  }
0x66: {  	[tilespmem:s23+$0xFFFFE400] =	vst v6;
	v3 =	vld.idx.msk [tilespmem:v8+s3+$0x0], $0xffff  }
0x67: {  	v6 =	vld.idx.msk [tilespmem:v9+s3+$0x0], $0xffff;
	v8 =	vor.u32 $0xD, v7  }
0x68: {  	s25 =	simm.s32 $0x30;
	[tilespmem:s22+$0xFFFFEE00] =	vst v4;
	v9 =	vor.u32 $0x4, v2  }
0x69: {  	v4 =	vld.idx.msk [tilespmem:v5+s3+$0x0], $0xffff;
	v5 =	vmov s25  }
0x6a: {  	v10 =	vor.u32 $0x9, v1;
	v5 =	vshll.u32 v5, $0x5  }
0x6b: {  	[tilespmem:s24+$0xFFFFF800] =	vst v3;
	v3 =	vor.u32 v0, v5  }
0x6c: {  	[tilespmem:s23+$0xFFFFE600] =	vst v6;
	v5 =	vld.idx.msk [tilespmem:v8+s3+$0x0], $0xffff  }
0x6d: {  	v6 =	vld.idx.msk [tilespmem:v9+s3+$0x0], $0xffff;
	v8 =	vor.u32 $0xE, v7  }
0x6e: {  	[tilespmem:s22+$0xFFFFF000] =	vst v4;
	v9 =	vor.u32 $0x5, v2  }
0x6f: {  	v4 =	vld.idx.msk [tilespmem:v10+s3+$0x0], $0xffff  }
0x70: {  	v11 =	vor.u32 $0xA, v1;
	v10 =	vld.idx.msk [tilespmem:v3+s3+$0x0], $0xffff  }
0x71: {  	[tilespmem:s24+$0xFFFFFA00] =	vst v5;
	v5 =	vor.u32 $0x1, v3  }
0x72: {  	[tilespmem:s23+$0xFFFFE800] =	vst v6;
	v6 =	vld.idx.msk [tilespmem:v8+s3+$0x0], $0xffff  }
0x73: {  	v8 =	vld.idx.msk [tilespmem:v9+s3+$0x0], $0xffff;
	v9 =	vor.u32 $0xF, v7  }
0x74: {  	v12 =	vor.u32 $0x6, v2;
	s25 =	sadd.s32 $0x10, s23;
	[tilespmem:s22+$0xFFFFF200] =	vst v4  }
0x75: {  	v4 =	vld.idx.msk [tilespmem:v11+s3+$0x0], $0xffff;
	[tilespmem:s25+$0xFFFFE000] =	vst v10  }
0x76: {  	v10 =	vor.u32 $0xB, v1;
	v5 =	vld.idx.msk [tilespmem:v5+s3+$0x0], $0xffff  }
0x77: {  	[tilespmem:s24+$0xFFFFFC00] =	vst v6;
	v6 =	vor.u32 $0x2, v3  }
0x78: {  	[tilespmem:s23+$0xFFFFEA00] =	vst v8;
	v8 =	vld.idx.msk [tilespmem:v9+s3+$0x0], $0xffff  }
0x79: {  	v11 =	vor.u32 $0x10, v7;
	v9 =	vld.idx.msk [tilespmem:v12+s3+$0x0], $0xffff  }
0x7a: {  	[tilespmem:s22+$0xFFFFF400] =	vst v4;
	v12 =	vor.u32 $0x7, v2  }
0x7b: {  	v4 =	vld.idx.msk [tilespmem:v10+s3+$0x0], $0xffff;
	[tilespmem:s25+$0xFFFFE200] =	vst v5  }
0x7c: {  	v5 =	vld.idx.msk [tilespmem:v6+s3+$0x0], $0xffff;
	v6 =	vor.u32 $0xC, v1  }
0x7d: {  	[tilespmem:s24+$0xFFFFFE00] =	vst v8;
	v8 =	vor.u32 $0x3, v3  }
0x7e: {  	[tilespmem:s23+$0xFFFFEC00] =	vst v9;
	v9 =	vld.idx.msk [tilespmem:v11+s3+$0x0], $0xffff  }
0x7f: {  	v10 =	vld.idx.msk [tilespmem:v12+s3+$0x0], $0xffff;
	v11 =	vor.u32 $0x11, v7  }
0x80: {  	v12 =	vor.u32 $0x8, v2;
	[tilespmem:s22+$0xFFFFF600] =	vst v4  }
0x81: {  	[tilespmem:s25+$0xFFFFE400] =	vst v5;
	v4 =	vld.idx.msk [tilespmem:v6+s3+$0x0], $0xffff  }
0x82: {  	v6 =	vor.u32 $0xD, v1;
	v5 =	vld.idx.msk [tilespmem:v8+s3+$0x0], $0xffff  }
0x83: {  	v8 =	vor.u32 $0x4, v3;
	[tilespmem:s24+$0x0] =	vst v9  }
0x84: {  	s26 =	simm.s32 $0x40;
	[tilespmem:s23+$0xFFFFEE00] =	vst v10;
	v9 =	vld.idx.msk [tilespmem:v11+s3+$0x0], $0xffff  }
0x85: {  	v10 =	vld.idx.msk [tilespmem:v12+s3+$0x0], $0xffff;
	v11 =	vmov s26;
	v12 =	vor.u32 $0x12, v7  }
0x86: {  	v13 =	vor.u32 $0x9, v2;
	v11 =	vshll.u32 v11, $0x5;
	[tilespmem:s22+$0xFFFFF800] =	vst v4  }
0x87: {  	v4 =	vor.u32 v0, v11;
	[tilespmem:s25+$0xFFFFE600] =	vst v5;
	v5 =	vld.idx.msk [tilespmem:v6+s3+$0x0], $0xffff  }
0x88: {  	v6 =	vld.idx.msk [tilespmem:v8+s3+$0x0], $0xffff;
	v8 =	vor.u32 $0xE, v1  }
0x89: {  	[tilespmem:s24+$0x200] =	vst v9;
	v9 =	vor.u32 $0x5, v3  }
0x8a: {  	[tilespmem:s23+$0xFFFFF000] =	vst v10;
	v10 =	vld.idx.msk [tilespmem:v12+s3+$0x0], $0xffff  }
0x8b: {  	v11 =	vld.idx.msk [tilespmem:v13+s3+$0x0], $0xffff;
	v12 =	vor.u32 $0x13, v7  }
0x8c: {  	v14 =	vor.u32 $0xA, v2;
	v13 =	vld.idx.msk [tilespmem:v4+s3+$0x0], $0xffff;
	[tilespmem:s22+$0xFFFFFA00] =	vst v5  }
0x8d: {  	v5 =	vor.u32 $0x1, v4;
	[tilespmem:s25+$0xFFFFE800] =	vst v6;
	v6 =	vld.idx.msk [tilespmem:v8+s3+$0x0], $0xffff  }
0x8e: {  	v8 =	vld.idx.msk [tilespmem:v9+s3+$0x0], $0xffff;
	v9 =	vor.u32 $0xF, v1  }
0x8f: {  	[tilespmem:s24+$0x400] =	vst v10;
	v10 =	vor.u32 $0x6, v3  }
0x90: {  	s26 =	sadd.s32 $0x10, s25;
	[tilespmem:s23+$0xFFFFF200] =	vst v11;
	v11 =	vld.idx.msk [tilespmem:v12+s3+$0x0], $0xffff  }
0x91: {  	[tilespmem:s26+$0xFFFFE000] =	vst v13;
	v12 =	vld.idx.msk [tilespmem:v14+s3+$0x0], $0xffff;
	v13 =	vor.u32 $0x14, v7  }
0x92: {  	v14 =	vor.u32 $0xB, v2;
	v5 =	vld.idx.msk [tilespmem:v5+s3+$0x0], $0xffff;
	[tilespmem:s22+$0xFFFFFC00] =	vst v6  }
0x93: {  	v6 =	vor.u32 $0x2, v4;
	[tilespmem:s25+$0xFFFFEA00] =	vst v8;
	v8 =	vld.idx.msk [tilespmem:v9+s3+$0x0], $0xffff  }
0x94: {  	v9 =	vld.idx.msk [tilespmem:v10+s3+$0x0], $0xffff;
	v10 =	vor.u32 $0x10, v1  }
0x95: {  	[tilespmem:s24+$0x600] =	vst v11;
	v11 =	vor.u32 $0x7, v3  }
0x96: {  	[tilespmem:s23+$0xFFFFF400] =	vst v12;
	v12 =	vld.idx.msk [tilespmem:v13+s3+$0x0], $0xffff  }
0x97: {  	[tilespmem:s26+$0xFFFFE200] =	vst v5;
	v5 =	vld.idx.msk [tilespmem:v14+s3+$0x0], $0xffff;
	v13 =	vor.u32 $0x15, v7  }
0x98: {  	v14 =	vor.u32 $0xC, v2;
	v6 =	vld.idx.msk [tilespmem:v6+s3+$0x0], $0xffff;
	[tilespmem:s22+$0xFFFFFE00] =	vst v8  }
0x99: {  	v8 =	vor.u32 $0x3, v4;
	[tilespmem:s25+$0xFFFFEC00] =	vst v9;
	v9 =	vld.idx.msk [tilespmem:v10+s3+$0x0], $0xffff  }
0x9a: {  	v10 =	vld.idx.msk [tilespmem:v11+s3+$0x0], $0xffff;
	v11 =	vor.u32 $0x11, v1  }
0x9b: {  	[tilespmem:s24+$0x800] =	vst v12;
	v12 =	vor.u32 $0x8, v3  }
0x9c: {  	[tilespmem:s23+$0xFFFFF600] =	vst v5;
	v5 =	vld.idx.msk [tilespmem:v13+s3+$0x0], $0xffff  }
0x9d: {  	[tilespmem:s26+$0xFFFFE400] =	vst v6;
	v6 =	vld.idx.msk [tilespmem:v14+s3+$0x0], $0xffff;
	v13 =	vor.u32 $0x16, v7  }
0x9e: {  	v14 =	vor.u32 $0xD, v2;
	v8 =	vld.idx.msk [tilespmem:v8+s3+$0x0], $0xffff;
	[tilespmem:s22+$0x0] =	vst v9  }
0x9f: {  	s28 =	simm.s32 $0x50;
	v9 =	vor.u32 $0x4, v4;
	[tilespmem:s25+$0xFFFFEE00] =	vst v10;
	v10 =	vld.idx.msk [tilespmem:v11+s3+$0x0], $0xffff  }
0xa0: {  	v15 =	vor.u32 $0x12, v1;
	v11 =	vld.idx.msk [tilespmem:v12+s3+$0x0], $0xffff;
	v12 =	vmov s28  }
0xa1: {  	[tilespmem:s24+$0xA00] =	vst v5;
	v5 =	vshll.u32 v12, $0x5;
	v12 =	vor.u32 $0x9, v3  }
0xa2: {  	[tilespmem:s23+$0xFFFFF800] =	vst v6;
	v6 =	vld.idx.msk [tilespmem:v13+s3+$0x0], $0xffff;
	v5 =	vor.u32 v0, v5  }
0xa3: {  	[tilespmem:s26+$0xFFFFE600] =	vst v8;
	v8 =	vld.idx.msk [tilespmem:v14+s3+$0x0], $0xffff;
	v13 =	vor.u32 $0x17, v7  }
0xa4: {  	v14 =	vor.u32 $0xE, v2;
	v9 =	vld.idx.msk [tilespmem:v9+s3+$0x0], $0xffff;
	[tilespmem:s22+$0x200] =	vst v10  }
0xa5: {  	v10 =	vor.u32 $0x5, v4;
	[tilespmem:s25+$0xFFFFF000] =	vst v11;
	v11 =	vld.idx.msk [tilespmem:v15+s3+$0x0], $0xffff  }
0xa6: {  	v15 =	vor.u32 $0x13, v1;
	v12 =	vld.idx.msk [tilespmem:v12+s3+$0x0], $0xffff  }
0xa7: {  	v16 =	vld.idx.msk [tilespmem:v5+s3+$0x0], $0xffff;
	[tilespmem:s24+$0xC00] =	vst v6;
	v6 =	vor.u32 $0xA, v3  }
0xa8: {  	[tilespmem:s23+$0xFFFFFA00] =	vst v8;
	v8 =	vld.idx.msk [tilespmem:v13+s3+$0x0], $0xffff;
	v13 =	vor.u32 $0x1, v5  }
0xa9: {  	[tilespmem:s26+$0xFFFFE800] =	vst v9;
	v9 =	vld.idx.msk [tilespmem:v14+s3+$0x0], $0xffff;
	v14 =	vor.u32 $0x18, v7  }
0xaa: {  	v17 =	vor.u32 $0xF, v2;
	v10 =	vld.idx.msk [tilespmem:v10+s3+$0x0], $0xffff;
	[tilespmem:s22+$0x400] =	vst v11  }
0xab: {  	s28 =	sadd.s32 $0x10, s26;
	v11 =	vor.u32 $0x6, v4;
	[tilespmem:s25+$0xFFFFF200] =	vst v12;
	v12 =	vld.idx.msk [tilespmem:v15+s3+$0x0], $0xffff  }
0xac: {  	v15 =	vor.u32 $0x14, v1;
	[tilespmem:s28+$0xFFFFE000] =	vst v16;
	v6 =	vld.idx.msk [tilespmem:v6+s3+$0x0], $0xffff  }
0xad: {  	v13 =	vld.idx.msk [tilespmem:v13+s3+$0x0], $0xffff;
	[tilespmem:s24+$0xE00] =	vst v8;
	v8 =	vor.u32 $0xB, v3  }
0xae: {  	[tilespmem:s23+$0xFFFFFC00] =	vst v9;
	v9 =	vld.idx.msk [tilespmem:v14+s3+$0x0], $0xffff;
	v14 =	vor.u32 $0x2, v5  }
0xaf: {  	v16 =	vor.u32 $0x19, v7;
	[tilespmem:s26+$0xFFFFEA00] =	vst v10;
	v10 =	vld.idx.msk [tilespmem:v17+s3+$0x0], $0xffff  }
0xb0: {  	v17 =	vor.u32 $0x10, v2;
	v11 =	vld.idx.msk [tilespmem:v11+s3+$0x0], $0xffff;
	[tilespmem:s22+$0x600] =	vst v12  }
0xb1: {  	v12 =	vor.u32 $0x7, v4;
	[tilespmem:s25+$0xFFFFF400] =	vst v6;
	v6 =	vld.idx.msk [tilespmem:v15+s3+$0x0], $0xffff  }
0xb2: {  	[tilespmem:s28+$0xFFFFE200] =	vst v13;
	v8 =	vld.idx.msk [tilespmem:v8+s3+$0x0], $0xffff;
	v13 =	vor.u32 $0x15, v1  }
0xb3: {  	v14 =	vld.idx.msk [tilespmem:v14+s3+$0x0], $0xffff;
	[tilespmem:s24+$0x1000] =	vst v9;
	v9 =	vor.u32 $0xC, v3  }
0xb4: {  	v15 =	vor.u32 $0x3, v5;
	[tilespmem:s23+$0xFFFFFE00] =	vst v10;
	v10 =	vld.idx.msk [tilespmem:v16+s3+$0x0], $0xffff  }
0xb5: {  	[tilespmem:s26+$0xFFFFEC00] =	vst v11;
	v11 =	vld.idx.msk [tilespmem:v17+s3+$0x0], $0xffff;
	v16 =	vor.u32 $0x1A, v7  }
0xb6: {  	v17 =	vor.u32 $0x11, v2;
	v12 =	vld.idx.msk [tilespmem:v12+s3+$0x0], $0xffff;
	[tilespmem:s22+$0x800] =	vst v6  }
0xb7: {  	v6 =	vor.u32 $0x8, v4;
	[tilespmem:s25+$0xFFFFF600] =	vst v8;
	v8 =	vld.idx.msk [tilespmem:v13+s3+$0x0], $0xffff  }
0xb8: {  	v13 =	vor.u32 $0x16, v1;
	[tilespmem:s28+$0xFFFFE400] =	vst v14;
	v9 =	vld.idx.msk [tilespmem:v9+s3+$0x0], $0xffff  }
0xb9: {  	v14 =	vld.idx.msk [tilespmem:v15+s3+$0x0], $0xffff;
	[tilespmem:s24+$0x1200] =	vst v10;
	v10 =	vor.u32 $0xD, v3  }
0xba: {  	[tilespmem:s23+$0x0] =	vst v11;
	v15 =	vor.u32 $0x4, v5;
	v11 =	vld.idx.msk [tilespmem:v16+s3+$0x0], $0xffff  }
0xbb: {  	s31 =	simm.s32 $0x60;
	[tilespmem:s26+$0xFFFFEE00] =	vst v12;
	v12 =	vld.idx.msk [tilespmem:v17+s3+$0x0], $0xffff;
	v16 =	vor.u32 $0x1B, v7  }
0xbc: {  	v18 =	vor.u32 $0x12, v2;
	v17 =	vld.idx.msk [tilespmem:v6+s3+$0x0], $0xffff;
	v6 =	vmov s31;
	[tilespmem:s22+$0xA00] =	vst v8  }
0xbd: {  	v6 =	vshll.u32 v6, $0x5;
	v8 =	vor.u32 $0x9, v4;
	[tilespmem:s25+$0xFFFFF800] =	vst v9;
	v9 =	vld.idx.msk [tilespmem:v13+s3+$0x0], $0xffff  }
0xbe: {  	v6 =	vor.u32 v0, v6;
	[tilespmem:s28+$0xFFFFE600] =	vst v14;
	v10 =	vld.idx.msk [tilespmem:v10+s3+$0x0], $0xffff  }
0xbf: {  	v14 =	vor.u32 $0x17, v1;
	v13 =	vld.idx.msk [tilespmem:v15+s3+$0x0], $0xffff;
	[tilespmem:s24+$0x1400] =	vst v11  }
0xc0: {  	v11 =	vor.u32 $0xE, v3;
	[tilespmem:s23+$0x200] =	vst v12;
	v12 =	vld.idx.msk [tilespmem:v16+s3+$0x0], $0xffff  }
0xc1: {  	v15 =	vor.u32 $0x5, v5;
	[tilespmem:s26+$0xFFFFF000] =	vst v17;
	v16 =	vld.idx.msk [tilespmem:v18+s3+$0x0], $0xffff  }
0xc2: {  	v17 =	vor.u32 $0x1C, v7;
	v8 =	vld.idx.msk [tilespmem:v8+s3+$0x0], $0xffff;
	[tilespmem:s22+$0xC00] =	vst v9  }
0xc3: {  	v19 =	vor.u32 $0x13, v2;
	v18 =	vld.idx.msk [tilespmem:v6+s3+$0x0], $0xffff;
	[tilespmem:s25+$0xFFFFFA00] =	vst v10  }
0xc4: {  	v9 =	vor.u32 $0xA, v4;
	v10 =	vld.idx.msk [tilespmem:v14+s3+$0x0], $0xffff;
	[tilespmem:s28+$0xFFFFE800] =	vst v13  }
0xc5: {  	v14 =	vor.u32 $0x1, v6;
	v11 =	vld.idx.msk [tilespmem:v11+s3+$0x0], $0xffff;
	[tilespmem:s24+$0x1600] =	vst v12  }
0xc6: {  	v13 =	vld.idx.msk [tilespmem:v15+s3+$0x0], $0xffff;
	v15 =	vor.u32 $0x18, v1;
	[tilespmem:s23+$0x400] =	vst v16  }
0xc7: {  	s29 =	sadd.s32 $0x10, s28;
	v12 =	vor.u32 $0xF, v3;
	v16 =	vld.idx.msk [tilespmem:v17+s3+$0x0], $0xffff;
	[tilespmem:s26+$0xFFFFF200] =	vst v8  }
0xc8: {  	v17 =	vor.u32 $0x6, v5;
	v8 =	vld.idx.msk [tilespmem:v19+s3+$0x0], $0xffff;
	[tilespmem:s29+$0xFFFFE000] =	vst v18  }
0xc9: {  	v9 =	vld.idx.msk [tilespmem:v9+s3+$0x0], $0xffff;
	v18 =	vor.u32 $0x1D, v7;
	[tilespmem:s22+$0xE00] =	vst v10  }
0xca: {  	v19 =	vor.u32 $0x14, v2;
	v14 =	vld.idx.msk [tilespmem:v14+s3+$0x0], $0xffff;
	[tilespmem:s25+$0xFFFFFC00] =	vst v11  }
0xcb: {  	v10 =	vor.u32 $0xB, v4;
	v11 =	vld.idx.msk [tilespmem:v15+s3+$0x0], $0xffff;
	[tilespmem:s28+$0xFFFFEA00] =	vst v13  }
0xcc: {  	v15 =	vor.u32 $0x2, v6;
	v12 =	vld.idx.msk [tilespmem:v12+s3+$0x0], $0xffff;
	[tilespmem:s24+$0x1800] =	vst v16  }
0xcd: {  	v13 =	vld.idx.msk [tilespmem:v17+s3+$0x0], $0xffff;
	v17 =	vor.u32 $0x19, v1;
	[tilespmem:s23+$0x600] =	vst v8  }
0xce: {  	v16 =	vor.u32 $0x10, v3;
	v8 =	vld.idx.msk [tilespmem:v18+s3+$0x0], $0xffff;
	[tilespmem:s26+$0xFFFFF400] =	vst v9  }
0xcf: {  	v18 =	vor.u32 $0x7, v5;
	v9 =	vld.idx.msk [tilespmem:v19+s3+$0x0], $0xffff;
	[tilespmem:s29+$0xFFFFE200] =	vst v14  }
0xd0: {  	v10 =	vld.idx.msk [tilespmem:v10+s3+$0x0], $0xffff;
	v14 =	vor.u32 $0x1E, v7;
	[tilespmem:s22+$0x1000] =	vst v11  }
0xd1: {  	v19 =	vor.u32 $0x15, v2;
	v15 =	vld.idx.msk [tilespmem:v15+s3+$0x0], $0xffff;
	[tilespmem:s25+$0xFFFFFE00] =	vst v12  }
0xd2: {  	v11 =	vor.u32 $0xC, v4;
	v12 =	vld.idx.msk [tilespmem:v17+s3+$0x0], $0xffff;
	[tilespmem:s28+$0xFFFFEC00] =	vst v13  }
0xd3: {  	v17 =	vor.u32 $0x3, v6;
	v20 =	vld.idx.msk [tilespmem:v16+s3+$0x0], $0xffff;
	[tilespmem:s24+$0x1A00] =	vst v8  }
0xd4: {  	v21 =	vor.u32 $0x1A, v1;
	v18 =	vld.idx.msk [tilespmem:v18+s3+$0x0], $0xffff;
	[tilespmem:s23+$0x800] =	vst v9  }
0xd5: {  	v22 =	vor.u32 $0x11, v3;
	v9 =	vld.idx.msk [tilespmem:v14+s3+$0x0], $0xffff;
	[tilespmem:s26+$0xFFFFF600] =	vst v10  }
0xd6: {  	v10 =	vld.idx.msk [tilespmem:v19+s3+$0x0], $0xffff;
	[tilespmem:s29+$0xFFFFE400] =	vst v15;
	v15 =	vor.u32 $0x8, v5  }
0xd7: {  	v7 =	vor.u32 $0x1F, v7;
	v13 =	vld.idx.msk [tilespmem:v11+s3+$0x0], $0xffff  }
0xd8: {  	v11 =	vor.u32 $0x16, v2;
	v16 =	vld.idx.msk [tilespmem:v17+s3+$0x0], $0xffff;
	[tilespmem:s22+$0x1200] =	vst v12  }
0xd9: {  	v14 =	vor.u32 $0xD, v4;
	[tilespmem:s25+$0x0] =	vst v20;
	v8 =	vld.idx.msk [tilespmem:v21+s3+$0x0], $0xffff  }
0xda: {  	s30 =	sadd.s32 $0x4400, s30;
	v17 =	vor.u32 $0x4, v6;
	[tilespmem:s28+$0xFFFFEE00] =	vst v18;
	v12 =	vld.idx.msk [tilespmem:v22+s3+$0x0], $0xffff  }
.LBB2_3:
0xdb: {  	s31 =	sadd.s32 $0x10, s31;
	v15 =	vld.idx.msk [tilespmem:v15+s3+$0x0], $0xffff;
	v18 =	vor.u32 $0x1B, v1;
	[tilespmem:s24+$0x1C00] =	vst v9  }
0xdc: {  	v19 =	vor.u32 $0x12, v3;
	v9 =	vmov s31;
	p2 =	slt.u32 s31, $0x1F0;
	[tilespmem:s23+$0xA00] =	vst v10;
	v7 =	vld.idx.msk [tilespmem:v7+s3+$0x0], $0xffff  }
0xdd: {  	v10 =	vor.u32 $0x9, v5;
	v9 =	vshll.u32 v9, $0x5;
	[tilespmem:s26+$0xFFFFF800] =	vst v13;
	v11 =	vld.idx.msk [tilespmem:v11+s3+$0x0], $0xffff  }
0xde: {  	v20 =	vor.u32 v0, v9;
	[tilespmem:s29+$0xFFFFE600] =	vst v16;
	v9 =	vld.idx.msk [tilespmem:v14+s3+$0x0], $0xffff  }
0xdf: {  	v14 =	vor.u32 $0x17, v2;
	v13 =	vld.idx.msk [tilespmem:v17+s3+$0x0], $0xffff;
	[tilespmem:s22+$0x1400] =	vst v8  }
0xe0: {  	v8 =	vor.u32 $0xE, v4;
	[tilespmem:s25+$0x200] =	vst v12;
	v12 =	vld.idx.msk [tilespmem:v18+s3+$0x0], $0xffff  }
0xe1: {  	v16 =	vor.u32 $0x5, v6;
	[tilespmem:s28+$0xFFFFF000] =	vst v15;
	v15 =	vld.idx.msk [tilespmem:v19+s3+$0x0], $0xffff  }
0xe2: {  	v17 =	vor.u32 $0x1C, v1;
	v10 =	vld.idx.msk [tilespmem:v10+s3+$0x0], $0xffff;
	[tilespmem:s24+$0x1E00] =	vst v7;
	s24 =	smov.u32 s22;
	s22 =	smov.u32 s23;
	s23 =	smov.u32 s25  }
0xe3: {  	v18 =	vor.u32 $0x13, v3;
	s25 =	smov.u32 s26;
	s26 =	smov.u32 s28;
	s28 =	smov.u32 s29;
	v7 =	vld.idx.msk [tilespmem:v20+s3+$0x0], $0xffff;
	[tilespmem:s22+$0xC00] =	vst v11  }
0xe4: {  	v11 =	vor.u32 $0xA, v5;
	[tilespmem:s25+$0xFFFFFA00] =	vst v9;
	v9 =	vld.idx.msk [tilespmem:v14+s3+$0x0], $0xffff  }
0xe5: {  	v14 =	vor.u32 $0x1, v20;
	[tilespmem:s29+$0xFFFFE800] =	vst v13;
	v8 =	vld.idx.msk [tilespmem:v8+s3+$0x0], $0xffff  }
0xe6: {  	v13 =	vld.idx.msk [tilespmem:v16+s3+$0x0], $0xffff;
	v16 =	vor.u32 $0x18, v2;
	[tilespmem:s24+$0x1600] =	vst v12  }
0xe7: {  	v12 =	vor.u32 $0xF, v4;
	[tilespmem:s23+$0x400] =	vst v15;
	v15 =	vld.idx.msk [tilespmem:v17+s3+$0x0], $0xffff  }
0xe8: {  	s29 =	sadd.s32 $0x10, s29;
	v17 =	vor.u32 $0x6, v6;
	[tilespmem:s26+$0xFFFFF200] =	vst v10;
	v10 =	vld.idx.msk [tilespmem:v18+s3+$0x0], $0xffff  }
0xe9: {  	[tilespmem:s29+$0xFFFFE000] =	vst v7;
	v7 =	vld.idx.msk [tilespmem:v11+s3+$0x0], $0xffff;
	v11 =	vor.u32 $0x1D, v1  }
0xea: {  	v18 =	vor.u32 $0x14, v3;
	v14 =	vld.idx.msk [tilespmem:v14+s3+$0x0], $0xffff;
	[tilespmem:s22+$0xE00] =	vst v9  }
0xeb: {  	v9 =	vor.u32 $0xB, v5;
	[tilespmem:s25+$0xFFFFFC00] =	vst v8;
	v8 =	vld.idx.msk [tilespmem:v16+s3+$0x0], $0xffff  }
0xec: {  	v16 =	vor.u32 $0x2, v20;
	[tilespmem:s28+$0xFFFFEA00] =	vst v13;
	v12 =	vld.idx.msk [tilespmem:v12+s3+$0x0], $0xffff  }
0xed: {  	v13 =	vld.idx.msk [tilespmem:v17+s3+$0x0], $0xffff;
	v17 =	vor.u32 $0x19, v2;
	[tilespmem:s24+$0x1800] =	vst v15  }
0xee: {  	v15 =	vor.u32 $0x10, v4;
	[tilespmem:s23+$0x600] =	vst v10;
	v10 =	vld.idx.msk [tilespmem:v11+s3+$0x0], $0xffff  }
0xef: {  	v11 =	vor.u32 $0x7, v6;
	[tilespmem:s26+$0xFFFFF400] =	vst v7;
	v7 =	vld.idx.msk [tilespmem:v18+s3+$0x0], $0xffff  }
0xf0: {  	[tilespmem:s29+$0xFFFFE200] =	vst v14;
	v14 =	vld.idx.msk [tilespmem:v9+s3+$0x0], $0xffff;
	v9 =	vor.u32 $0x1E, v1  }
0xf1: {  	v18 =	vor.u32 $0x15, v3;
	v16 =	vld.idx.msk [tilespmem:v16+s3+$0x0], $0xffff;
	[tilespmem:s22+$0x1000] =	vst v8  }
0xf2: {  	v8 =	vor.u32 $0xC, v5;
	[tilespmem:s25+$0xFFFFFE00] =	vst v12;
	v12 =	vld.idx.msk [tilespmem:v17+s3+$0x0], $0xffff  }
0xf3: {  	v17 =	vor.u32 $0x3, v20;
	[tilespmem:s28+$0xFFFFEC00] =	vst v13;
	v19 =	vld.idx.msk [tilespmem:v15+s3+$0x0], $0xffff  }
0xf4: {  	v22 =	vor.u32 $0x1A, v2;
	v21 =	vld.idx.msk [tilespmem:v11+s3+$0x0], $0xffff;
	[tilespmem:s24+$0x1A00] =	vst v10  }
0xf5: {  	v23 =	vor.u32 $0x11, v4;
	[tilespmem:s23+$0x800] =	vst v7;
	v9 =	vld.idx.msk [tilespmem:v9+s3+$0x0], $0xffff  }
.Ltmp0:
0xf6: {  	v15 =	vor.u32 $0x8, v6;
	[tilespmem:s26+$0xFFFFF600] =	vst v14;
	v10 =	vld.idx.msk [tilespmem:v18+s3+$0x0], $0xffff;
	(pc) =	sbr.rel @p2 .LBB2_3-.Ltmp0, $4  }
0xf7: {  	v7 =	vor.u32 $0x1F, v1;
	v1 =	vmovc v2;
	v2 =	vmovc v3;
	v3 =	vmov v4;
	v4 =	vmov v5;
	[tilespmem:s29+$0xFFFFE400] =	vst v16;
	v13 =	vld.idx.msk [tilespmem:v8+s3+$0x0], $0xffff  }
0xf8: {  	v5 =	vmov v6;
	v6 =	vmov v20;
	v11 =	vor.u32 $0x16, v2;
	v16 =	vld.idx.msk [tilespmem:v17+s3+$0x0], $0xffff;
	[tilespmem:s22+$0x1200] =	vst v12  }
0xf9: {  	v14 =	vor.u32 $0xD, v4;
	[tilespmem:s25+$0x0] =	vst v19;
	v8 =	vld.idx.msk [tilespmem:v22+s3+$0x0], $0xffff  }
0xfa: {  	v17 =	vor.u32 $0x4, v6;
	[tilespmem:s28+$0xFFFFEE00] =	vst v21;
	v12 =	vld.idx.msk [tilespmem:v23+s3+$0x0], $0xffff  }
0xfb: {  	_ =	sdelay $0x2  }
0xfc: {  	[tilespmem:s29+$0xFFFFE600] =	vst v16  }
0xfd: {  	v16 =	vld.idx.msk [tilespmem:v17+s3+$0x0], $0xffff  }
0xfe: {  	v50 =	vor.u32 $0x5, v6;
	_ =	sdelay $0x3  }
0xff: {  	[tilespmem:s29+$0xFFFFE800] =	vst v16  }
0x100: {  	v16 =	vld.idx.msk [tilespmem:v50+s3+$0x0], $0xffff  }
0x101: {  	v51 =	vor.u32 $0x6, v6;
	_ =	sdelay $0x3  }
0x102: {  	[tilespmem:s29+$0xFFFFEA00] =	vst v16  }
0x103: {  	v16 =	vld.idx.msk [tilespmem:v51+s3+$0x0], $0xffff  }
0x104: {  	v52 =	vor.u32 $0x7, v6;
	_ =	sdelay $0x3  }
0x105: {  	[tilespmem:s29+$0xFFFFEC00] =	vst v16  }
0x106: {  	v16 =	vld.idx.msk [tilespmem:v52+s3+$0x0], $0xffff  }
0x107: {  	v53 =	vor.u32 $0x8, v6;
	_ =	sdelay $0x3  }
0x108: {  	v15 =	vld.idx.msk [tilespmem:v15+s3+$0x0], $0xffff;
	[tilespmem:s29+$0xFFFFEE00] =	vst v16  }
0x109: {  	v54 =	vor.u32 $0x9, v5;
	v17 =	vld.idx.msk [tilespmem:v53+s3+$0x0], $0xffff  }
0x10a: {  	v18 =	vor.u32 $0x9, v6;
	_ =	sdelay $0x2  }
0x10b: {  	[tilespmem:s28+$0xFFFFF000] =	vst v15  }
0x10c: {  	v15 =	vld.idx.msk [tilespmem:v54+s3+$0x0], $0xffff;
	[tilespmem:s29+$0xFFFFF000] =	vst v17  }
0x10d: {  	v55 =	vor.u32 $0xA, v5;
	v17 =	vld.idx.msk [tilespmem:v18+s3+$0x0], $0xffff  }
0x10e: {  	v56 =	vor.u32 $0xA, v6;
	_ =	sdelay $0x2  }
0x10f: {  	[tilespmem:s28+$0xFFFFF200] =	vst v15  }
0x110: {  	v15 =	vld.idx.msk [tilespmem:v55+s3+$0x0], $0xffff;
	[tilespmem:s29+$0xFFFFF200] =	vst v17  }
0x111: {  	v57 =	vor.u32 $0xB, v5;
	v17 =	vld.idx.msk [tilespmem:v56+s3+$0x0], $0xffff  }
0x112: {  	v58 =	vor.u32 $0xB, v6;
	_ =	sdelay $0x2  }
0x113: {  	[tilespmem:s28+$0xFFFFF400] =	vst v15  }
0x114: {  	v15 =	vld.idx.msk [tilespmem:v57+s3+$0x0], $0xffff;
	[tilespmem:s29+$0xFFFFF400] =	vst v17  }
0x115: {  	v59 =	vor.u32 $0xC, v5;
	v17 =	vld.idx.msk [tilespmem:v58+s3+$0x0], $0xffff  }
0x116: {  	v60 =	vor.u32 $0xC, v6;
	_ =	sdelay $0x2  }
0x117: {  	[tilespmem:s28+$0xFFFFF600] =	vst v15  }
0x118: {  	v15 =	vld.idx.msk [tilespmem:v59+s3+$0x0], $0xffff;
	[tilespmem:s29+$0xFFFFF600] =	vst v17  }
0x119: {  	v61 =	vor.u32 $0xD, v5;
	v17 =	vld.idx.msk [tilespmem:v60+s3+$0x0], $0xffff  }
0x11a: {  	v62 =	vor.u32 $0xD, v6;
	_ =	sdelay $0x1  }
0x11b: {  	[tilespmem:s26+$0xFFFFF800] =	vst v13  }
0x11c: {  	v13 =	vld.idx.msk [tilespmem:v14+s3+$0x0], $0xffff;
	[tilespmem:s28+$0xFFFFF800] =	vst v15  }
0x11d: {  	v63 =	vor.u32 $0xE, v4;
	v15 =	vld.idx.msk [tilespmem:v61+s3+$0x0], $0xffff;
	[tilespmem:s29+$0xFFFFF800] =	vst v17  }
0x11e: {  	v21 =	vor.u32 $0xE, v5;
	v17 =	vld.idx.msk [tilespmem:v62+s3+$0x0], $0xffff  }
0x11f: {  	v22 =	vor.u32 $0xE, v6;
	_ =	sdelay $0x1  }
0x120: {  	[tilespmem:s26+$0xFFFFFA00] =	vst v13  }
0x121: {  	v13 =	vld.idx.msk [tilespmem:v63+s3+$0x0], $0xffff;
	[tilespmem:s28+$0xFFFFFA00] =	vst v15  }
0x122: {  	v23 =	vor.u32 $0xF, v4;
	v15 =	vld.idx.msk [tilespmem:v21+s3+$0x0], $0xffff;
	[tilespmem:s29+$0xFFFFFA00] =	vst v17  }
0x123: {  	v24 =	vor.u32 $0xF, v5;
	v17 =	vld.idx.msk [tilespmem:v22+s3+$0x0], $0xffff  }
0x124: {  	v25 =	vor.u32 $0xF, v6;
	_ =	sdelay $0x1  }
0x125: {  	[tilespmem:s26+$0xFFFFFC00] =	vst v13  }
0x126: {  	v13 =	vld.idx.msk [tilespmem:v23+s3+$0x0], $0xffff;
	[tilespmem:s28+$0xFFFFFC00] =	vst v15  }
0x127: {  	v26 =	vor.u32 $0x10, v4;
	v15 =	vld.idx.msk [tilespmem:v24+s3+$0x0], $0xffff;
	[tilespmem:s29+$0xFFFFFC00] =	vst v17  }
0x128: {  	v27 =	vor.u32 $0x10, v5;
	v17 =	vld.idx.msk [tilespmem:v25+s3+$0x0], $0xffff  }
0x129: {  	v28 =	vor.u32 $0x10, v6;
	_ =	sdelay $0x1  }
0x12a: {  	[tilespmem:s26+$0xFFFFFE00] =	vst v13  }
0x12b: {  	v13 =	vld.idx.msk [tilespmem:v26+s3+$0x0], $0xffff;
	[tilespmem:s28+$0xFFFFFE00] =	vst v15  }
0x12c: {  	v29 =	vor.u32 $0x11, v4;
	v15 =	vld.idx.msk [tilespmem:v27+s3+$0x0], $0xffff;
	[tilespmem:s29+$0xFFFFFE00] =	vst v17  }
0x12d: {  	v30 =	vor.u32 $0x11, v5;
	v17 =	vld.idx.msk [tilespmem:v28+s3+$0x0], $0xffff  }
0x12e: {  	v31 =	vor.u32 $0x11, v6;
	_ =	sdelay $0x1  }
0x12f: {  	[tilespmem:s26+$0x0] =	vst v13  }
0x130: {  	v32 =	vor.u32 $0x12, v3;
	v14 =	vld.idx.msk [tilespmem:v29+s3+$0x0], $0xffff;
	[tilespmem:s28+$0x0] =	vst v15  }
0x131: {  	v33 =	vor.u32 $0x12, v4;
	v16 =	vld.idx.msk [tilespmem:v30+s3+$0x0], $0xffff;
	[tilespmem:s29+$0x0] =	vst v17  }
0x132: {  	v34 =	vor.u32 $0x12, v5;
	v18 =	vld.idx.msk [tilespmem:v31+s3+$0x0], $0xffff  }
0x133: {  	v19 =	vor.u32 $0x12, v6  }
0x134: {  	[tilespmem:s25+$0x200] =	vst v12  }
0x135: {  	v12 =	vld.idx.msk [tilespmem:v32+s3+$0x0], $0xffff;
	[tilespmem:s26+$0x200] =	vst v14  }
0x136: {  	v35 =	vor.u32 $0x13, v3;
	v14 =	vld.idx.msk [tilespmem:v33+s3+$0x0], $0xffff;
	[tilespmem:s28+$0x200] =	vst v16  }
0x137: {  	v36 =	vor.u32 $0x13, v4;
	v16 =	vld.idx.msk [tilespmem:v34+s3+$0x0], $0xffff;
	[tilespmem:s29+$0x200] =	vst v18  }
0x138: {  	v37 =	vor.u32 $0x13, v5;
	v18 =	vld.idx.msk [tilespmem:v19+s3+$0x0], $0xffff  }
0x139: {  	v38 =	vor.u32 $0x13, v6  }
0x13a: {  	[tilespmem:s25+$0x400] =	vst v12  }
0x13b: {  	v12 =	vld.idx.msk [tilespmem:v35+s3+$0x0], $0xffff;
	[tilespmem:s26+$0x400] =	vst v14  }
0x13c: {  	v39 =	vor.u32 $0x14, v3;
	v14 =	vld.idx.msk [tilespmem:v36+s3+$0x0], $0xffff;
	[tilespmem:s28+$0x400] =	vst v16  }
0x13d: {  	v40 =	vor.u32 $0x14, v4;
	v16 =	vld.idx.msk [tilespmem:v37+s3+$0x0], $0xffff;
	[tilespmem:s29+$0x400] =	vst v18  }
0x13e: {  	v41 =	vor.u32 $0x14, v5;
	v18 =	vld.idx.msk [tilespmem:v38+s3+$0x0], $0xffff  }
0x13f: {  	v42 =	vor.u32 $0x14, v6  }
0x140: {  	[tilespmem:s25+$0x600] =	vst v12  }
0x141: {  	v12 =	vld.idx.msk [tilespmem:v39+s3+$0x0], $0xffff;
	[tilespmem:s26+$0x600] =	vst v14  }
0x142: {  	v43 =	vor.u32 $0x15, v3;
	v14 =	vld.idx.msk [tilespmem:v40+s3+$0x0], $0xffff;
	[tilespmem:s28+$0x600] =	vst v16  }
0x143: {  	v44 =	vor.u32 $0x15, v4;
	v16 =	vld.idx.msk [tilespmem:v41+s3+$0x0], $0xffff;
	[tilespmem:s29+$0x600] =	vst v18  }
0x144: {  	v45 =	vor.u32 $0x15, v5;
	v18 =	vld.idx.msk [tilespmem:v42+s3+$0x0], $0xffff  }
0x145: {  	v46 =	vor.u32 $0x15, v6  }
0x146: {  	[tilespmem:s25+$0x800] =	vst v12  }
0x147: {  	v12 =	vld.idx.msk [tilespmem:v43+s3+$0x0], $0xffff;
	[tilespmem:s26+$0x800] =	vst v14  }
0x148: {  	v47 =	vor.u32 $0x16, v3;
	v14 =	vld.idx.msk [tilespmem:v44+s3+$0x0], $0xffff;
	[tilespmem:s28+$0x800] =	vst v16  }
0x149: {  	v48 =	vor.u32 $0x16, v4;
	v16 =	vld.idx.msk [tilespmem:v45+s3+$0x0], $0xffff;
	[tilespmem:s29+$0x800] =	vst v18  }
0x14a: {  	v49 =	vor.u32 $0x16, v5;
	v18 =	vld.idx.msk [tilespmem:v46+s3+$0x0], $0xffff  }
0x14b: {  	[tilespmem:s23+$0xA00] =	vst v10;
	v50 =	vor.u32 $0x16, v6  }
0x14c: {  	v11 =	vld.idx.msk [tilespmem:v11+s3+$0x0], $0xffff;
	[tilespmem:s25+$0xA00] =	vst v12  }
0x14d: {  	v51 =	vor.u32 $0x17, v2;
	v13 =	vld.idx.msk [tilespmem:v47+s3+$0x0], $0xffff;
	[tilespmem:s26+$0xA00] =	vst v14  }
0x14e: {  	v52 =	vor.u32 $0x17, v3;
	v15 =	vld.idx.msk [tilespmem:v48+s3+$0x0], $0xffff;
	[tilespmem:s28+$0xA00] =	vst v16  }
0x14f: {  	v53 =	vor.u32 $0x17, v4;
	v17 =	vld.idx.msk [tilespmem:v49+s3+$0x0], $0xffff;
	[tilespmem:s29+$0xA00] =	vst v18  }
0x150: {  	v54 =	vor.u32 $0x17, v5;
	v10 =	vld.idx.msk [tilespmem:v50+s3+$0x0], $0xffff  }
0x151: {  	[tilespmem:s23+$0xC00] =	vst v11;
	v55 =	vor.u32 $0x17, v6  }
0x152: {  	v12 =	vld.idx.msk [tilespmem:v51+s3+$0x0], $0xffff;
	[tilespmem:s25+$0xC00] =	vst v13  }
0x153: {  	v56 =	vor.u32 $0x18, v2;
	v14 =	vld.idx.msk [tilespmem:v52+s3+$0x0], $0xffff;
	[tilespmem:s26+$0xC00] =	vst v15  }
0x154: {  	v57 =	vor.u32 $0x18, v3;
	v16 =	vld.idx.msk [tilespmem:v53+s3+$0x0], $0xffff;
	[tilespmem:s28+$0xC00] =	vst v17  }
0x155: {  	v58 =	vor.u32 $0x18, v4;
	v18 =	vld.idx.msk [tilespmem:v54+s3+$0x0], $0xffff;
	[tilespmem:s29+$0xC00] =	vst v10  }
0x156: {  	v59 =	vor.u32 $0x18, v5;
	v11 =	vld.idx.msk [tilespmem:v55+s3+$0x0], $0xffff  }
0x157: {  	[tilespmem:s23+$0xE00] =	vst v12;
	v60 =	vor.u32 $0x18, v6  }
0x158: {  	v13 =	vld.idx.msk [tilespmem:v56+s3+$0x0], $0xffff;
	[tilespmem:s25+$0xE00] =	vst v14  }
0x159: {  	v61 =	vor.u32 $0x19, v2;
	v15 =	vld.idx.msk [tilespmem:v57+s3+$0x0], $0xffff;
	[tilespmem:s26+$0xE00] =	vst v16  }
0x15a: {  	v62 =	vor.u32 $0x19, v3;
	v17 =	vld.idx.msk [tilespmem:v58+s3+$0x0], $0xffff;
	[tilespmem:s28+$0xE00] =	vst v18  }
0x15b: {  	v63 =	vor.u32 $0x19, v4;
	v10 =	vld.idx.msk [tilespmem:v59+s3+$0x0], $0xffff;
	[tilespmem:s29+$0xE00] =	vst v11  }
0x15c: {  	[tilespmem:s24+$0x1C00] =	vst v9;
	v21 =	vor.u32 $0x19, v5;
	v11 =	vld.idx.msk [tilespmem:v60+s3+$0x0], $0xffff  }
0x15d: {  	[tilespmem:s23+$0x1000] =	vst v13;
	v22 =	vor.u32 $0x19, v6  }
0x15e: {  	v13 =	vld.idx.msk [tilespmem:v61+s3+$0x0], $0xffff;
	[tilespmem:s25+$0x1000] =	vst v15  }
0x15f: {  	v23 =	vor.u32 $0x1A, v2;
	v15 =	vld.idx.msk [tilespmem:v62+s3+$0x0], $0xffff;
	[tilespmem:s26+$0x1000] =	vst v17  }
0x160: {  	v24 =	vor.u32 $0x1A, v3;
	v17 =	vld.idx.msk [tilespmem:v63+s3+$0x0], $0xffff;
	[tilespmem:s28+$0x1000] =	vst v10  }
0x161: {  	v25 =	vor.u32 $0x1A, v4;
	v9 =	vld.idx.msk [tilespmem:v21+s3+$0x0], $0xffff;
	[tilespmem:s29+$0x1000] =	vst v11  }
0x162: {  	[tilespmem:s22+$0x1400] =	vst v8;
	v26 =	vor.u32 $0x1A, v5;
	v11 =	vld.idx.msk [tilespmem:v22+s3+$0x0], $0xffff  }
0x163: {  	v7 =	vld.idx.msk [tilespmem:v7+s3+$0x0], $0xffff;
	v27 =	vor.u32 $0x1A, v6;
	[tilespmem:s23+$0x1200] =	vst v13  }
0x164: {  	v14 =	vld.idx.msk [tilespmem:v23+s3+$0x0], $0xffff;
	[tilespmem:s25+$0x1200] =	vst v15;
	v28 =	vor.u32 $0x1B, v1  }
0x165: {  	v29 =	vor.u32 $0x1B, v2;
	v16 =	vld.idx.msk [tilespmem:v24+s3+$0x0], $0xffff;
	[tilespmem:s26+$0x1200] =	vst v17  }
0x166: {  	v30 =	vor.u32 $0x1B, v3;
	v10 =	vld.idx.msk [tilespmem:v25+s3+$0x0], $0xffff;
	[tilespmem:s28+$0x1200] =	vst v9  }
0x167: {  	v31 =	vor.u32 $0x1B, v4;
	v8 =	vld.idx.msk [tilespmem:v26+s3+$0x0], $0xffff;
	[tilespmem:s29+$0x1200] =	vst v11  }
0x168: {  	v32 =	vor.u32 $0x1B, v5;
	[tilespmem:s24+$0x1E00] =	vst v7;
	v11 =	vld.idx.msk [tilespmem:v27+s3+$0x0], $0xffff  }
0x169: {  	v34 =	vor.u32 $0x1B, v6;
	[tilespmem:s23+$0x1400] =	vst v14;
	v33 =	vld.idx.msk [tilespmem:v28+s3+$0x0], $0xffff  }
0x16a: {  	v35 =	vor.u32 $0x1C, v1;
	v15 =	vld.idx.msk [tilespmem:v29+s3+$0x0], $0xffff;
	[tilespmem:s25+$0x1400] =	vst v16  }
0x16b: {  	v36 =	vor.u32 $0x1C, v2;
	v17 =	vld.idx.msk [tilespmem:v30+s3+$0x0], $0xffff;
	[tilespmem:s26+$0x1400] =	vst v10  }
0x16c: {  	v37 =	vor.u32 $0x1C, v3;
	v9 =	vld.idx.msk [tilespmem:v31+s3+$0x0], $0xffff;
	[tilespmem:s28+$0x1400] =	vst v8  }
0x16d: {  	v38 =	vor.u32 $0x1C, v4;
	v7 =	vld.idx.msk [tilespmem:v32+s3+$0x0], $0xffff;
	[tilespmem:s29+$0x1400] =	vst v11  }
0x16e: {  	v39 =	vor.u32 $0x1C, v5;
	[tilespmem:s22+$0x1600] =	vst v33;
	v40 =	vld.idx.msk [tilespmem:v34+s3+$0x0], $0xffff  }
0x16f: {  	[tilespmem:s23+$0x1600] =	vst v15;
	v41 =	vld.idx.msk [tilespmem:v35+s3+$0x0], $0xffff;
	v42 =	vor.u32 $0x1C, v6  }
0x170: {  	v43 =	vor.u32 $0x1D, v1;
	v16 =	vld.idx.msk [tilespmem:v36+s3+$0x0], $0xffff;
	[tilespmem:s25+$0x1600] =	vst v17  }
0x171: {  	v44 =	vor.u32 $0x1D, v2;
	v10 =	vld.idx.msk [tilespmem:v37+s3+$0x0], $0xffff;
	[tilespmem:s26+$0x1600] =	vst v9  }
0x172: {  	v45 =	vor.u32 $0x1D, v3;
	v8 =	vld.idx.msk [tilespmem:v38+s3+$0x0], $0xffff;
	[tilespmem:s28+$0x1600] =	vst v7  }
0x173: {  	v46 =	vor.u32 $0x1D, v4;
	v11 =	vld.idx.msk [tilespmem:v39+s3+$0x0], $0xffff;
	[tilespmem:s29+$0x1600] =	vst v40  }
0x174: {  	v47 =	vor.u32 $0x1D, v5;
	[tilespmem:s22+$0x1800] =	vst v41;
	v48 =	vld.idx.msk [tilespmem:v42+s3+$0x0], $0xffff  }
0x175: {  	v49 =	vld.idx.msk [tilespmem:v43+s3+$0x0], $0xffff;
	[tilespmem:s23+$0x1800] =	vst v16;
	v50 =	vor.u32 $0x1D, v6  }
0x176: {  	v51 =	vor.u32 $0x1E, v1;
	v17 =	vld.idx.msk [tilespmem:v44+s3+$0x0], $0xffff;
	[tilespmem:s25+$0x1800] =	vst v10  }
0x177: {  	v52 =	vor.u32 $0x1E, v2;
	v9 =	vld.idx.msk [tilespmem:v45+s3+$0x0], $0xffff;
	[tilespmem:s26+$0x1800] =	vst v8  }
0x178: {  	v53 =	vor.u32 $0x1E, v3;
	v7 =	vld.idx.msk [tilespmem:v46+s3+$0x0], $0xffff;
	[tilespmem:s28+$0x1800] =	vst v11  }
0x179: {  	v54 =	vor.u32 $0x1E, v4;
	v12 =	vld.idx.msk [tilespmem:v47+s3+$0x0], $0xffff;
	[tilespmem:s29+$0x1800] =	vst v48  }
0x17a: {  	[tilespmem:s22+$0x1A00] =	vst v49;
	v55 =	vor.u32 $0x1E, v5;
	v56 =	vld.idx.msk [tilespmem:v50+s3+$0x0], $0xffff  }
0x17b: {  	v58 =	vor.u32 $0x1E, v6;
	v57 =	vld.idx.msk [tilespmem:v51+s3+$0x0], $0xffff;
	[tilespmem:s23+$0x1A00] =	vst v17  }
0x17c: {  	v1 =	vor.u32 $0x1F, v1;
	v10 =	vld.idx.msk [tilespmem:v52+s3+$0x0], $0xffff;
	[tilespmem:s25+$0x1A00] =	vst v9  }
0x17d: {  	v2 =	vor.u32 $0x1F, v2;
	v8 =	vld.idx.msk [tilespmem:v53+s3+$0x0], $0xffff;
	[tilespmem:s26+$0x1A00] =	vst v7  }
0x17e: {  	v3 =	vor.u32 $0x1F, v3;
	v7 =	vld.idx.msk [tilespmem:v54+s3+$0x0], $0xffff;
	[tilespmem:s28+$0x1A00] =	vst v12  }
0x17f: {  	v59 =	vor.u32 $0x1F, v4;
	v60 =	vld.idx.msk [tilespmem:v55+s3+$0x0], $0xffff;
	[tilespmem:s29+$0x1A00] =	vst v56  }
0x180: {  	v61 =	vor.u32 $0x1F, v5;
	[tilespmem:s22+$0x1C00] =	vst v57;
	v62 =	vld.idx.msk [tilespmem:v58+s3+$0x0], $0xffff  }
0x181: {  	v63 =	vor.u32 $0x1F, v6;
	v1 =	vld.idx.msk [tilespmem:v1+s3+$0x0], $0xffff;
	[tilespmem:s23+$0x1C00] =	vst v10  }
0x182: {  	v2 =	vld.idx.msk [tilespmem:v2+s3+$0x0], $0xffff;
	[tilespmem:s25+$0x1C00] =	vst v8  }
0x183: {  	v3 =	vld.idx.msk [tilespmem:v3+s3+$0x0], $0xffff;
	[tilespmem:s26+$0x1C00] =	vst v7  }
0x184: {  	v4 =	vld.idx.msk [tilespmem:v59+s3+$0x0], $0xffff;
	[tilespmem:s28+$0x1C00] =	vst v60  }
0x185: {  	v5 =	vld.idx.msk [tilespmem:v61+s3+$0x0], $0xffff;
	[tilespmem:s29+$0x1C00] =	vst v62  }
0x186: {  	p2 =	seq.s32 s18, $0x31;
	[tilespmem:s22+$0x1E00] =	vst v1;
	v1 =	vld.idx.msk [tilespmem:v63+s3+$0x0], $0xffff  }
0x187: {  	p1 =	por p2, p1;
	[tilespmem:s23+$0x1E00] =	vst v2  }
0x188: {  	s20 =	sshll.u32 @p1 s20, $0x13;
	[tilespmem:s25+$0x1E00] =	vst v3  }
0x189: {  	s20 =	sor.u32 @p1 s4, s20;
	[tilespmem:s26+$0x1E00] =	vst v4  }
0x18a: {  	s21 =	sadd.s32 @p1 $0x3, s21;
	s20 =	sshrl.u32 @p1 s20, $0x3;
	[tilespmem:s28+$0x1E00] =	vst v5  }
0x18b: {  	s20 =	sadd.s32 @p1 s6, s20;
	s24 =	simm.s32 @p1 $0x4000;
	s22 =	simm.s32 $0x1;
	[tilespmem:s29+$0x1E00] =	vst v1  }
0x18c: {  	s22 =	simm.s32 @!p0 $0x0;
	p0 =	seq.s32 s18, $0x0;
	_ =	strace $0x9000004B  }
0x18d: {  	s17 =	sadd.s32 s22, s17;
	s23 =	simm.s32 @p1 $0x200;
	_ =	strace @p1 $0x8000004C  }
0x18e: {  	[hbm4b:s20+s23] =	stream.strided.scatter @p1 [tilespmem:s30], [sflag:s21], $0x4000, s24, s23, $0x200038;
	[tilespmem:$0xC400] =	vst v63  }
0x18f: {  	s22 =	simm.s32 $0x1;
	s20 =	simm.s32 $0x1;
	_ =	strace @p1 $0x9000004C  }
0x190: {  	s20 =	simm.s32 @!p1 $0x0;
	p1 =	sne.s32 s18, $0x0;
	s18 =	sadd.s32 $0x1, s18  }
0x191: {  	s21 =	sand.u32 @!p0 $0x1, s14;
	s22 =	simm.s32 @!p1 $0x0;
	p1 =	sne.s32 s18, $0x32  }
.Ltmp1:
0x192: {  	s21 =	sadd.s32 @!p0 $0x3, s21;
	_ =	strace @!p0 $0x8000004D;
	(pc) =	sbr.rel @p1 .LBB2_2-.Ltmp1, $4  }
0x193: {  	_ =	swait.ge @!p0 [sflag:s21], $0x4000  }
0x194: {  	[sflag:s21] =	ssyncset.done @!p0 $0x0  }
0x195: {  	s15 =	sadd.s32 s20, s15;
	s16 =	sadd.s32 s20, s16;
	[sflag:s21] =	ssyncadd.s32 @!p0 $0xFFFFC000  }
0x196: {  	s20 =	smov.u32 s19;
	s14 =	sadd.s32 s22, s14;
	_ =	strace @!p0 $0x9000004D  }
0x197: {  	s13 =	sadd.s32 $0x1, s13  }
0x198: {  	p0 =	sne.s32 s13, s8  }
.Ltmp2:
0x199: {  	_ =	strace $0x8000004E;
	(pc) =	sbr.rel @p0 .LBB2_1-.Ltmp2, $4  }
0x19a: {  	_ =	swait.ge [sflag:s12], $0x4000  }
0x19b: {  	[sflag:s12] =	ssyncset.done $0x0  }
0x19c: {  	[sflag:s12] =	ssyncadd.s32 $0xFFFFC000  }
0x19d: {  	_ =	strace $0x9000004E  }
0x19e: {  	_ =	sfence.sel $0x180000  }
0x19f: {  	[bflag:$0x0] =	sbarrier.arrive $0xFFFF  }
0x1a0: {  	p0 =	sne.s32 s1, $0x0;
	_ =	strace $0x90000047  }
0x1a1: {  	s0 =	sadd.s32 @!p0 $0x100000, s0;
	[bflag:$0x2] =	sbarrier.arrive $0xFFFF  }
0x1a2: {  	[sflag:s0] =	ssyncadd.tile.s32 @!p0 $0x1;
	_ =	shalt  }
.Lfunc_end2:
_tile_overlayer_lowered:
.L_overlay_start_2:
0x1a3: {  	(tag) =	ssettag $0x2  }
0x1a4: {  	s0 =	rddreg [dreg:$0x0];
	s2 =	stileid.u32  }
0x1a5: {  	s1 =	rddreg [dreg:$0x1];
	p0 =	sne.s32 s2, $0x0  }
0x1a6: {  	s3 =	rddreg [dreg:$0x2];
	[bflag:$0x3] =	sbarrier.arrive $0xFFFF;
	s2 =	simm.s32 @!p0 $0x1C01  }
0x1a7: {  	[timem:s3], [sflag:s2] =	dma.local @!p0 [hbm:s0], s1  }
0x1a8: {  	s0 =	simm.s32 @!p0 $0x1  }
0x1a9: {  	_ =	swait.ge @!p0 [sflag:s0], s1  }
0x1aa: {  	s1 =	ssub.s32 @!p0 $0x0, s1;
	[sflag:s0] =	ssyncset.done @!p0 $0x0  }
0x1ab: {  	[sflag:s0] =	ssyncadd.s32 @!p0 s1  }
0x1ac: {  	[bflag:$0x3] =	sbarrier.arrive $0xFFFF  }
0x1ad: {  	_ =	shalt  }

</sc_bundles>
